<compile_context>
chip_gen: v7x
topology: tpu7x:2x2x1
jax: 0.10.2.dev20260603
libtpu: 0.0.44.dev20260713+nightly
codegen_flags: <defaults>
</compile_context>

<pallas_src>
import functools

import jax
import jax.numpy as jnp
from jax import lax
from jax.experimental import pallas as pl
from jax.experimental.pallas import tpu as pltpu
from jax.experimental.pallas import tpu_sc as plsc

_N = 10000
_E = 160000
_H = 32
_NTILE = 32
_CHUNK = 128
_NP = 10112
_ROWS_PER_TILE = _NP // 16
_EP = 163840
_NCH = _EP // (_NTILE * _CHUNK)
_RBLK = 2000


def _bdot(a, b):
    return lax.dot_general(
        a.astype(jnp.bfloat16), b.astype(jnp.bfloat16),
        (((1,), (0,)), ((), ())),
        preferred_element_type=jnp.float32)


def _mm_body(x_ref, w_ref, o_ref):
    o_ref[...] = _bdot(x_ref[...], w_ref[...])


def _stage_a(x, wcat):
    n, d_in = x.shape
    blk = 1000
    return pl.pallas_call(
        _mm_body,
        grid=(n // blk,),
        in_specs=[
            pl.BlockSpec((blk, d_in), lambda i: (i, 0)),
            pl.BlockSpec((d_in, wcat.shape[1]), lambda i: (0, 0)),
        ],
        out_specs=pl.BlockSpec((blk, wcat.shape[1]), lambda i: (i, 0)),
        out_shape=jax.ShapeDtypeStruct((n, wcat.shape[1]), jnp.float32),
    )(x, wcat)


def _make_sc_segsum(d):
    mesh = plsc.VectorSubcoreMesh(core_axis_name="c", subcore_axis_name="s")

    nbuf = 2

    @functools.partial(
        pl.kernel,
        out_type=jax.ShapeDtypeStruct((2 * _NP, d), jnp.float32),
        mesh=mesh,
        compiler_params=pltpu.CompilerParams(use_tc_tiling_on_sc=False),
        scratch_types=[
            pltpu.VMEM((_NCH, _CHUNK), jnp.int32),
            pltpu.VMEM((_NCH, _CHUNK), jnp.int32),
        ] + [pltpu.VMEM((_CHUNK, d), jnp.float32) for _ in range(nbuf)]
          + [pltpu.VMEM_SHARED((_NP, d), jnp.float32)]
          + [pltpu.SemaphoreType.DMA for _ in range(nbuf)],
    )
    def sc_fn(table_hbm, src_hbm, dst_hbm, zeros_hbm, out_hbm,
              src_v, dst_v, r0, r1, acc_sh, s0, s1):
        bufs = (r0, r1)
        sems = (s0, s1)
        c = lax.axis_index("c")
        s = lax.axis_index("s")
        wid = c * 16 + s
        pltpu.sync_copy(src_hbm.at[wid], src_v)
        pltpu.sync_copy(dst_hbm.at[wid], dst_v)
        base = s * _ROWS_PER_TILE
        pltpu.sync_copy(zeros_hbm, acc_sh.at[pl.ds(base, _ROWS_PER_TILE)])
        plsc.subcore_barrier()

        for b in range(nbuf):
            pltpu.async_copy(table_hbm.at[src_v.at[b]], bufs[b], sems[b])

        def body(i, carry):
            for b in range(nbuf):
                j = i * nbuf + b
                pltpu.make_async_copy(
                    table_hbm.at[pl.ds(0, _CHUNK)], bufs[b], sems[b]).wait()
                pltpu.sync_copy(bufs[b], acc_sh.at[dst_v.at[j]], add=True)
                pltpu.async_copy(
                    table_hbm.at[src_v.at[j + nbuf]], bufs[b], sems[b])
            return carry

        lax.fori_loop(0, _NCH // nbuf - 1, body, 0)
        for b in range(nbuf):
            j = _NCH - nbuf + b
            pltpu.make_async_copy(
                table_hbm.at[pl.ds(0, _CHUNK)], bufs[b], sems[b]).wait()
            pltpu.sync_copy(bufs[b], acc_sh.at[dst_v.at[j]], add=True)
        plsc.subcore_barrier()
        pltpu.sync_copy(acc_sh.at[pl.ds(base, _ROWS_PER_TILE)],
                        out_hbm.at[pl.ds(c * _NP + base, _ROWS_PER_TILE)])

    return sc_fn


_sc_segsum48 = _make_sc_segsum(48)
_sc_segsum32 = _make_sc_segsum(32)


def _quant(h, u, bq=64.0):
    mn = jnp.min(h, axis=1, keepdims=True)
    mx = jnp.max(h, axis=1, keepdims=True)
    off = mx - mn
    off = jnp.where(off > 0, off, 1.0)
    s = bq * (h - mn) / off
    fl = jnp.floor(s)
    return fl + ((s - fl) > u).astype(jnp.float32)


def _c_body(p0_ref, p1_ref, xw_ref, b1_ref, m0_ref, u1_ref, h1_ref, cm_ref):
    ssum = p0_ref[:, 0:_H] + p1_ref[:, 0:_H]
    cnt = p0_ref[:, _H:_H + 1] + p1_ref[:, _H:_H + 1]
    cm = jnp.maximum(cnt, 1.0)
    h = ssum / cm + xw_ref[:, _H:2 * _H] + b1_ref[...]
    h = jnp.maximum(h, 0.0) * m0_ref[...]
    h1_ref[...] = _quant(h, u1_ref[...])
    cm_ref[...] = cm


def _stage_c(p0, p1, xw, b1, m0, u1):
    return pl.pallas_call(
        _c_body,
        grid=(_N // _RBLK,),
        in_specs=[
            pl.BlockSpec((_RBLK, 48), lambda i: (i, 0)),
            pl.BlockSpec((_RBLK, 48), lambda i: (i, 0)),
            pl.BlockSpec((_RBLK, 2 * _H), lambda i: (i, 0)),
            pl.BlockSpec((1, _H), lambda i: (0, 0)),
            pl.BlockSpec((_RBLK, _H), lambda i: (i, 0)),
            pl.BlockSpec((_RBLK, _H), lambda i: (i, 0)),
        ],
        out_specs=[
            pl.BlockSpec((_RBLK, _H), lambda i: (i, 0)),
            pl.BlockSpec((_RBLK, 1), lambda i: (i, 0)),
        ],
        out_shape=[
            jax.ShapeDtypeStruct((_N, _H), jnp.float32),
            jax.ShapeDtypeStruct((_N, 1), jnp.float32),
        ],
    )(p0, p1, xw, b1, m0, u1)


def _e_body(p0_ref, p1_ref, h1_ref, cm_ref, wl2_ref, wr2_ref, b2_ref,
            m2_ref, u3_ref, m4_ref, wp1_ref, bp1_ref, wp2_ref, bp2_ref,
            o_ref):
    ssum = p0_ref[...] + p1_ref[...]
    agg = ssum / cm_ref[...]
    h = _bdot(agg, wl2_ref[...]) + _bdot(h1_ref[...], wr2_ref[...]) \
        + b2_ref[...]
    h = jnp.maximum(h, 0.0) * m2_ref[...]
    h = _quant(h, u3_ref[...])
    z = _bdot(h, wp1_ref[...]) + bp1_ref[...]
    z = z * m4_ref[...]
    z2 = _bdot(z, wp2_ref[...]) + bp2_ref[...]
    mx = jnp.max(z2, axis=1, keepdims=True)
    sh = z2 - mx
    o_ref[...] = sh - jnp.log(jnp.sum(jnp.exp(sh), axis=1, keepdims=True))


def _stage_e(p0, p1, h1, cm, wl2, wr2, b2, m2, u3, m4, wp1, bp1, wp2, bp2):
    nout = wp2.shape[1]
    return pl.pallas_call(
        _e_body,
        grid=(_N // _RBLK,),
        in_specs=[
            pl.BlockSpec((_RBLK, _H), lambda i: (i, 0)),
            pl.BlockSpec((_RBLK, _H), lambda i: (i, 0)),
            pl.BlockSpec((_RBLK, _H), lambda i: (i, 0)),
            pl.BlockSpec((_RBLK, 1), lambda i: (i, 0)),
            pl.BlockSpec((_H, _H), lambda i: (0, 0)),
            pl.BlockSpec((_H, _H), lambda i: (0, 0)),
            pl.BlockSpec((1, _H), lambda i: (0, 0)),
            pl.BlockSpec((_RBLK, _H), lambda i: (i, 0)),
            pl.BlockSpec((_RBLK, _H), lambda i: (i, 0)),
            pl.BlockSpec((_RBLK, _H), lambda i: (i, 0)),
            pl.BlockSpec((_H, _H), lambda i: (0, 0)),
            pl.BlockSpec((1, _H), lambda i: (0, 0)),
            pl.BlockSpec((_H, nout), lambda i: (0, 0)),
            pl.BlockSpec((1, nout), lambda i: (0, 0)),
        ],
        out_specs=pl.BlockSpec((_RBLK, nout), lambda i: (i, 0)),
        out_shape=jax.ShapeDtypeStruct((_N, nout), jnp.float32),
    )(p0, p1, h1, cm, wl2, wr2, b2, m2, u3, m4, wp1, bp1, wp2, bp2)


def kernel(x, edge_index, W_l1, W_r1, b1, W_l2, W_r2, b2, Wp1, bp1, Wp2, bp2):
    src = edge_index[0]
    dst = edge_index[1]

    dk = jax.random.split(jax.random.key(42), 5)
    m0 = jax.random.bernoulli(dk[0], 0.5, (_N, _H)).astype(jnp.float32) * 2.0
    u1 = jax.random.uniform(dk[1], (_N, _H), dtype=jnp.float32)
    m2 = jax.random.bernoulli(dk[2], 0.5, (_N, _H)).astype(jnp.float32) * 2.0
    u3 = jax.random.uniform(dk[3], (_N, _H), dtype=jnp.float32)
    m4 = jax.random.bernoulli(dk[4], 0.5, (_N, _H)).astype(jnp.float32) * 2.0

    pad = _EP - _E
    src_p = jnp.concatenate([src, jnp.zeros((pad,), jnp.int32)])
    dst_p = jnp.concatenate([dst, jnp.full((pad,), _N, jnp.int32)])
    src_p = src_p.reshape(_NTILE, _NCH, _CHUNK)
    dst_p = dst_p.reshape(_NTILE, _NCH, _CHUNK)

    xw = _stage_a(x, jnp.concatenate([W_l1, W_r1], axis=1))

    table1 = jnp.concatenate(
        [xw[:, :_H], jnp.ones((_N, 1), jnp.float32),
         jnp.zeros((_N, 48 - _H - 1), jnp.float32)], axis=1)
    table1 = jnp.pad(table1, ((0, _NP - _N), (0, 0)))
    zeros48 = jnp.zeros((_ROWS_PER_TILE, 48), jnp.float32)
    out1 = _sc_segsum48(table1, src_p, dst_p, zeros48)
    p0_1, p1_1 = out1[:_N], out1[_NP:_NP + _N]

    h1, cm = _stage_c(p0_1, p1_1, xw, b1.reshape(1, _H), m0, u1)

    table2 = jnp.pad(h1, ((0, _NP - _N), (0, 0)))
    zeros32 = jnp.zeros((_ROWS_PER_TILE, _H), jnp.float32)
    out2 = _sc_segsum32(table2, src_p, dst_p, zeros32)
    p0_2, p1_2 = out2[:_N], out2[_NP:_NP + _N]

    return _stage_e(p0_2, p1_2, h1, cm, W_l2, W_r2, b2.reshape(1, _H),
                    m2, u3, m4, Wp1, bp1.reshape(1, _H), Wp2,
                    bp2.reshape(1, -1))

# --- scband reference (transcript-rebuilt; emitter-appended) ---
"""Pipeline reference for scband-graph-sage-23957327577785 (READ-ONLY COPY).

The authoritative reference and input builder live on the scoring server;
editing this copy changes nothing except your own understanding.
"""

import jax, jax.numpy as jnp
import numpy as np

N = 10000
E = 160000
D_IN = 1433
H = 32
OUT = 7
BQ = 64


def setup_inputs(seed: int = 0) -> dict:
    key = jax.random.key(seed)
    ks = jax.random.split(key, 12)
    x = jax.random.normal(ks[0], (N, D_IN), dtype=jnp.float32)
    edge_index = jax.random.randint(ks[1], (2, E), 0, N, dtype=jnp.int32)

    def glorot(k, shape):
        lim = 1.0 / np.sqrt(shape[0])
        return jax.random.uniform(k, shape, dtype=jnp.float32, minval=-lim, maxval=lim)

    return {
        "x": x,
        "edge_index": edge_index,
        "W_l1": glorot(ks[2], (D_IN, H)),
        "W_r1": glorot(ks[3], (D_IN, H)),
        "b1": jnp.zeros((H,), jnp.float32),
        "W_l2": glorot(ks[4], (H, H)),
        "W_r2": glorot(ks[5], (H, H)),
        "b2": jnp.zeros((H,), jnp.float32),
        "Wp1": glorot(ks[6], (H, H)),
        "bp1": jnp.zeros((H,), jnp.float32),
        "Wp2": glorot(ks[7], (H, OUT)),
        "bp2": jnp.zeros((OUT,), jnp.float32),
    }


def _dropout(x, k, p=0.5):
    keep = jax.random.bernoulli(k, 1.0 - p, x.shape)
    return jnp.where(keep, x / (1.0 - p), 0.0).astype(x.dtype)


def _tinykg(x, k):
    # row-wise min/max quantization to [0, BQ] with stochastic rounding
    mn = x.min(axis=1, keepdims=True)
    mx = x.max(axis=1, keepdims=True)
    off = mx - mn
    off = jnp.where(off > 0, off, 1.0)
    s = BQ * (x - mn) / off
    fl = jnp.floor(s)
    u = jax.random.uniform(k, x.shape, dtype=x.dtype)
    return fl + ((s - fl) > u).astype(x.dtype)


def _sage(x, src, dst, Wl, Wr, b):
    # SAGEConv with mean aggregation: lin_l(mean_{j in N(i)} x_j) + lin_r(x_i)
    msg = jnp.take(x, src, axis=0)
    ssum = jax.ops.segment_sum(msg, dst, num_segments=N)
    cnt = jax.ops.segment_sum(jnp.ones((src.shape[0], 1), x.dtype), dst, num_segments=N)
    agg = ssum / jnp.maximum(cnt, 1.0)
    return agg @ Wl + x @ Wr + b


def reference(x, edge_index, W_l1, W_r1, b1, W_l2, W_r2, b2, Wp1, bp1, Wp2, bp2):
    src = edge_index[0]
    dst = edge_index[1]
    dk = jax.random.split(jax.random.key(42), 5)
    h = _sage(x, src, dst, W_l1, W_r1, b1)
    h = jax.nn.relu(h)
    h = _dropout(h, dk[0])
    h = _tinykg(h, dk[1])  # in-place quantization in the original: feeds next layer
    h = _sage(h, src, dst, W_l2, W_r2, b2)
    h = jax.nn.relu(h)
    h = _dropout(h, dk[2])
    h = _tinykg(h, dk[3])
    h = h @ Wp1 + bp1
    h = _dropout(h, dk[4])  # nn.Dropout inside post_mp
    h = h @ Wp2 + bp2
    return jax.nn.log_softmax(h, axis=1)

if __name__ == "__main__":
    import jax
    _d = setup_inputs()
    print(jax.jit(kernel)(*tuple(_d.values())))

</pallas_src>

<mosaic_0001>
#map = affine_map<(d0, d1) -> (0, 0)>
#map1 = affine_map<(d0, d1) -> (0, 0, 0)>
module attributes {stable_mosaic.version = 14 : i64} {
  func.func @sc_fn(%arg0: i32, %arg1: i32, %arg2: memref<10112x32xf32, #tpu.memory_space<hbm>>, %arg3: memref<32x40x128xi32, #tpu.memory_space<hbm>>, %arg4: memref<32x40x128xi32, #tpu.memory_space<hbm>>, %arg5: memref<632x32xf32, #tpu.memory_space<hbm>>, %arg6: memref<20224x32xf32, #tpu.memory_space<hbm>>, %arg7: memref<40x128xi32, #tpu.memory_space<vmem>>, %arg8: memref<40x128xi32, #tpu.memory_space<vmem>>, %arg9: memref<128x32xf32, #tpu.memory_space<vmem>>, %arg10: memref<128x32xf32, #tpu.memory_space<vmem>>, %arg11: memref<10112x32xf32, #tpu.memory_space<vmem_shared>>, %arg12: memref<!tpu.dma_semaphore, #tpu.memory_space<semaphore_mem>>, %arg13: memref<!tpu.dma_semaphore, #tpu.memory_space<semaphore_mem>>) attributes {dimension_semantics = [#tpu.dimension_semantics<core_parallel>, #tpu.dimension_semantics<subcore_parallel>], iteration_bounds = array<i64: 2, 16>, scalar_prefetch = 0 : i64, scratch_operands = 7 : i64, tpu.core_type = #tpu.core_type<sc_vector_subcore>, window_params = [{transform_indices = #map}, {transform_indices = #map1}, {transform_indices = #map1}, {transform_indices = #map}, {transform_indices = #map}]} {
    %mul3A = arith.constant 16 : i32
    %mul3A_0 = arith.muli %arg0, %mul3A : i32
    %add3A = arith.addi %mul3A_0, %arg1 : i32
    "tpu.region"() ({
      %run_scoped3A_37 = tpu.sem_alloc : memref<!tpu.dma_semaphore, #tpu.memory_space<semaphore_mem>>
      %dma_start3A_38 = arith.constant 0 : i32
      %dma_start3A_39 = arith.constant 0 : i32
      %dma_start3A_40 = tpu.memref_slice %arg3[%add3A, %dma_start3A_38, %dma_start3A_39] : memref<32x40x128xi32, #tpu.memory_space<hbm>> -> memref<1x40x128xi32, #tpu.memory_space<hbm>>
      %dma_start3A_41 = tpu.memref_squeeze %dma_start3A_40 : memref<1x40x128xi32, #tpu.memory_space<hbm>> -> memref<40x128xi32, #tpu.memory_space<hbm>>
      %dma_start3A_42 = arith.constant 0 : i32
      %dma_start3A_43 = arith.constant 0 : i32
      %dma_start3A_44 = tpu.memref_slice %arg3[%add3A, %dma_start3A_42, %dma_start3A_43] : memref<32x40x128xi32, #tpu.memory_space<hbm>> -> memref<1x40x128xi32, #tpu.memory_space<hbm>>
      %dma_start3A_45 = tpu.memref_squeeze %dma_start3A_44 : memref<1x40x128xi32, #tpu.memory_space<hbm>> -> memref<40x128xi32, #tpu.memory_space<hbm>>
      tpu.enqueue_dma source(%dma_start3A_45 : memref<40x128xi32, #tpu.memory_space<hbm>>) target(%arg7 : memref<40x128xi32, #tpu.memory_space<vmem>>) target_semaphore(%run_scoped3A_37 : memref<!tpu.dma_semaphore, #tpu.memory_space<semaphore_mem>>)
      %dma_wait3A_46 = arith.constant 0 : i32
      %dma_wait3A_47 = arith.constant 0 : i32
      %dma_wait3A_48 = tpu.memref_slice %arg3[%add3A, %dma_wait3A_46, %dma_wait3A_47] : memref<32x40x128xi32, #tpu.memory_space<hbm>> -> memref<1x40x128xi32, #tpu.memory_space<hbm>>
      %dma_wait3A_49 = tpu.memref_squeeze %dma_wait3A_48 : memref<1x40x128xi32, #tpu.memory_space<hbm>> -> memref<40x128xi32, #tpu.memory_space<hbm>>
      %dma_wait3A_50 = arith.constant 0 : i32
      %dma_wait3A_51 = arith.constant 0 : i32
      %dma_wait3A_52 = tpu.memref_slice %arg3[%add3A, %dma_wait3A_50, %dma_wait3A_51] : memref<32x40x128xi32, #tpu.memory_space<hbm>> -> memref<1x40x128xi32, #tpu.memory_space<hbm>>
      %dma_wait3A_53 = tpu.memref_squeeze %dma_wait3A_52 : memref<1x40x128xi32, #tpu.memory_space<hbm>> -> memref<40x128xi32, #tpu.memory_space<hbm>>
      tpu.wait_dma2 semaphore(%run_scoped3A_37 : memref<!tpu.dma_semaphore, #tpu.memory_space<semaphore_mem>>) src(%dma_wait3A_53 : memref<40x128xi32, #tpu.memory_space<hbm>>) dst(%arg7 : memref<40x128xi32, #tpu.memory_space<vmem>>)
      tpu.yield
    }) : () -> ()
    "tpu.region"() ({
      %run_scoped3A_37 = tpu.sem_alloc : memref<!tpu.dma_semaphore, #tpu.memory_space<semaphore_mem>>
      %dma_start3A_38 = arith.constant 0 : i32
      %dma_start3A_39 = arith.constant 0 : i32
      %dma_start3A_40 = tpu.memref_slice %arg4[%add3A, %dma_start3A_38, %dma_start3A_39] : memref<32x40x128xi32, #tpu.memory_space<hbm>> -> memref<1x40x128xi32, #tpu.memory_space<hbm>>
      %dma_start3A_41 = tpu.memref_squeeze %dma_start3A_40 : memref<1x40x128xi32, #tpu.memory_space<hbm>> -> memref<40x128xi32, #tpu.memory_space<hbm>>
      %dma_start3A_42 = arith.constant 0 : i32
      %dma_start3A_43 = arith.constant 0 : i32
      %dma_start3A_44 = tpu.memref_slice %arg4[%add3A, %dma_start3A_42, %dma_start3A_43] : memref<32x40x128xi32, #tpu.memory_space<hbm>> -> memref<1x40x128xi32, #tpu.memory_space<hbm>>
      %dma_start3A_45 = tpu.memref_squeeze %dma_start3A_44 : memref<1x40x128xi32, #tpu.memory_space<hbm>> -> memref<40x128xi32, #tpu.memory_space<hbm>>
      tpu.enqueue_dma source(%dma_start3A_45 : memref<40x128xi32, #tpu.memory_space<hbm>>) target(%arg8 : memref<40x128xi32, #tpu.memory_space<vmem>>) target_semaphore(%run_scoped3A_37 : memref<!tpu.dma_semaphore, #tpu.memory_space<semaphore_mem>>)
      %dma_wait3A_46 = arith.constant 0 : i32
      %dma_wait3A_47 = arith.constant 0 : i32
      %dma_wait3A_48 = tpu.memref_slice %arg4[%add3A, %dma_wait3A_46, %dma_wait3A_47] : memref<32x40x128xi32, #tpu.memory_space<hbm>> -> memref<1x40x128xi32, #tpu.memory_space<hbm>>
      %dma_wait3A_49 = tpu.memref_squeeze %dma_wait3A_48 : memref<1x40x128xi32, #tpu.memory_space<hbm>> -> memref<40x128xi32, #tpu.memory_space<hbm>>
      %dma_wait3A_50 = arith.constant 0 : i32
      %dma_wait3A_51 = arith.constant 0 : i32
      %dma_wait3A_52 = tpu.memref_slice %arg4[%add3A, %dma_wait3A_50, %dma_wait3A_51] : memref<32x40x128xi32, #tpu.memory_space<hbm>> -> memref<1x40x128xi32, #tpu.memory_space<hbm>>
      %dma_wait3A_53 = tpu.memref_squeeze %dma_wait3A_52 : memref<1x40x128xi32, #tpu.memory_space<hbm>> -> memref<40x128xi32, #tpu.memory_space<hbm>>
      tpu.wait_dma2 semaphore(%run_scoped3A_37 : memref<!tpu.dma_semaphore, #tpu.memory_space<semaphore_mem>>) src(%dma_wait3A_53 : memref<40x128xi32, #tpu.memory_space<hbm>>) dst(%arg8 : memref<40x128xi32, #tpu.memory_space<vmem>>)
      tpu.yield
    }) : () -> ()
    %mul3A_1 = arith.constant 632 : i32
    %mul3A_2 = arith.muli %arg1, %mul3A_1 : i32
    "tpu.region"() ({
      %run_scoped3A_37 = tpu.sem_alloc : memref<!tpu.dma_semaphore, #tpu.memory_space<semaphore_mem>>
      %dma_start3A_38 = arith.constant 0 : i32
      %dma_start3A_39 = tpu.memref_slice %arg11[%mul3A_2, %dma_start3A_38] : memref<10112x32xf32, #tpu.memory_space<vmem_shared>> -> memref<632x32xf32, #tpu.memory_space<vmem_shared>>
      tpu.enqueue_dma source(%arg5 : memref<632x32xf32, #tpu.memory_space<hbm>>) target(%dma_start3A_39 : memref<632x32xf32, #tpu.memory_space<vmem_shared>>) target_semaphore(%run_scoped3A_37 : memref<!tpu.dma_semaphore, #tpu.memory_space<semaphore_mem>>)
      %dma_wait3A_40 = arith.constant 0 : i32
      %dma_wait3A_41 = tpu.memref_slice %arg11[%mul3A_2, %dma_wait3A_40] : memref<10112x32xf32, #tpu.memory_space<vmem_shared>> -> memref<632x32xf32, #tpu.memory_space<vmem_shared>>
      tpu.wait_dma2 semaphore(%run_scoped3A_37 : memref<!tpu.dma_semaphore, #tpu.memory_space<semaphore_mem>>) src(%arg5 : memref<632x32xf32, #tpu.memory_space<hbm>>) dst(%dma_wait3A_41 : memref<632x32xf32, #tpu.memory_space<vmem_shared>>)
      tpu.yield
    }) : () -> ()
    %barrier3A = arith.constant 0 : index
    tpu.barrier barrier_id(%barrier3A)
    %dma_start3A = arith.constant 0 : i32
    %dma_start3A_3 = arith.constant 0 : i32
    %dma_start3A_4 = tpu.memref_slice %arg7[%dma_start3A, %dma_start3A_3] : memref<40x128xi32, #tpu.memory_space<vmem>> -> memref<1x128xi32, #tpu.memory_space<vmem>>
    %dma_start3A_5 = tpu.memref_squeeze %dma_start3A_4 : memref<1x128xi32, #tpu.memory_space<vmem>> -> memref<128xi32, #tpu.memory_space<vmem>>
    %dma_start3A_6 = arith.constant 0 : i32
    %dma_start3A_7 = arith.constant 0 : i32
    %dma_start3A_8 = tpu.memref_slice %arg2[%dma_start3A_6, %dma_start3A_7] : memref<10112x32xf32, #tpu.memory_space<hbm>> -> memref<10112x32xf32, #tpu.memory_space<hbm>>
    tpu.enqueue_indirect_dma source(%dma_start3A_8 : memref<10112x32xf32, #tpu.memory_space<hbm>>) target(%arg9 : memref<128x32xf32, #tpu.memory_space<vmem>>) offsets(%dma_start3A_5 : memref<128xi32, #tpu.memory_space<vmem>>) semaphore(%arg12 : memref<!tpu.dma_semaphore, #tpu.memory_space<semaphore_mem>>)
    %dma_start3A_9 = arith.constant 1 : i32
    %dma_start3A_10 = arith.constant 0 : i32
    %dma_start3A_11 = tpu.memref_slice %arg7[%dma_start3A_9, %dma_start3A_10] : memref<40x128xi32, #tpu.memory_space<vmem>> -> memref<1x128xi32, #tpu.memory_space<vmem>>
    %dma_start3A_12 = tpu.memref_squeeze %dma_start3A_11 : memref<1x128xi32, #tpu.memory_space<vmem>> -> memref<128xi32, #tpu.memory_space<vmem>>
    %dma_start3A_13 = arith.constant 0 : i32
    %dma_start3A_14 = arith.constant 0 : i32
    %dma_start3A_15 = tpu.memref_slice %arg2[%dma_start3A_13, %dma_start3A_14] : memref<10112x32xf32, #tpu.memory_space<hbm>> -> memref<10112x32xf32, #tpu.memory_space<hbm>>
    tpu.enqueue_indirect_dma source(%dma_start3A_15 : memref<10112x32xf32, #tpu.memory_space<hbm>>) target(%arg10 : memref<128x32xf32, #tpu.memory_space<vmem>>) offsets(%dma_start3A_12 : memref<128xi32, #tpu.memory_space<vmem>>) semaphore(%arg13 : memref<!tpu.dma_semaphore, #tpu.memory_space<semaphore_mem>>)
    %scan3A = arith.constant 0 : i32
    %scan3A_16 = arith.constant 0 : i32
    %scan3A_17 = arith.constant 19 : i32
    %scan3A_18 = arith.addi %scan3A_16, %scan3A_17 : i32
    %scan3A_19 = arith.constant 1 : i32
    scf.for %scan3A_37 = %scan3A_16 to %scan3A_18 step %scan3A_19  : i32 {
      %mul3A_38 = arith.constant 2 : i32
      %mul3A_39 = arith.muli %scan3A_37, %mul3A_38 : i32
      %add3A_40 = arith.constant 0 : i32
      %add3A_41 = arith.addi %mul3A_39, %add3A_40 : i32
      %dma_wait3A_42 = arith.constant 0 : i32
      %dma_wait3A_43 = arith.constant 0 : i32
      %dma_wait3A_44 = tpu.memref_slice %arg2[%dma_wait3A_42, %dma_wait3A_43] : memref<10112x32xf32, #tpu.memory_space<hbm>> -> memref<128x32xf32, #tpu.memory_space<hbm>>
      %dma_wait3A_45 = arith.constant 0 : i32
      %dma_wait3A_46 = arith.constant 0 : i32
      %dma_wait3A_47 = tpu.memref_slice %arg2[%dma_wait3A_45, %dma_wait3A_46] : memref<10112x32xf32, #tpu.memory_space<hbm>> -> memref<128x32xf32, #tpu.memory_space<hbm>>
      tpu.wait_dma2 semaphore(%arg12 : memref<!tpu.dma_semaphore, #tpu.memory_space<semaphore_mem>>) src(%dma_wait3A_47 : memref<128x32xf32, #tpu.memory_space<hbm>>) dst(%arg9 : memref<128x32xf32, #tpu.memory_space<vmem>>)
      "tpu.region"() ({
        %run_scoped3A_74 = tpu.sem_alloc : memref<!tpu.dma_semaphore, #tpu.memory_space<semaphore_mem>>
        %dma_start3A_75 = arith.constant 0 : i32
        %dma_start3A_76 = tpu.memref_slice %arg8[%add3A_41, %dma_start3A_75] : memref<40x128xi32, #tpu.memory_space<vmem>> -> memref<1x128xi32, #tpu.memory_space<vmem>>
        %dma_start3A_77 = tpu.memref_squeeze %dma_start3A_76 : memref<1x128xi32, #tpu.memory_space<vmem>> -> memref<128xi32, #tpu.memory_space<vmem>>
        %dma_start3A_78 = arith.constant 0 : i32
        %dma_start3A_79 = arith.constant 0 : i32
        %dma_start3A_80 = tpu.memref_slice %arg11[%dma_start3A_78, %dma_start3A_79] : memref<10112x32xf32, #tpu.memory_space<vmem_shared>> -> memref<10112x32xf32, #tpu.memory_space<vmem_shared>>
        tpu.enqueue_indirect_dma source(%arg9 : memref<128x32xf32, #tpu.memory_space<vmem>>) target(%dma_start3A_80 : memref<10112x32xf32, #tpu.memory_space<vmem_shared>>) offsets(%dma_start3A_77 : memref<128xi32, #tpu.memory_space<vmem>>) semaphore(%run_scoped3A_74 : memref<!tpu.dma_semaphore, #tpu.memory_space<semaphore_mem>>) {add = true}
        %dma_wait3A_81 = arith.constant 0 : i32
        %dma_wait3A_82 = tpu.memref_slice %arg8[%add3A_41, %dma_wait3A_81] : memref<40x128xi32, #tpu.memory_space<vmem>> -> memref<1x128xi32, #tpu.memory_space<vmem>>
        %dma_wait3A_83 = tpu.memref_squeeze %dma_wait3A_82 : memref<1x128xi32, #tpu.memory_space<vmem>> -> memref<128xi32, #tpu.memory_space<vmem>>
        %dma_wait3A_84 = arith.constant 0 : i32
        %dma_wait3A_85 = arith.constant 0 : i32
        %dma_wait3A_86 = tpu.memref_slice %arg11[%dma_wait3A_84, %dma_wait3A_85] : memref<10112x32xf32, #tpu.memory_space<vmem_shared>> -> memref<10112x32xf32, #tpu.memory_space<vmem_shared>>
        tpu.wait_indirect_dma semaphore(%run_scoped3A_74 : memref<!tpu.dma_semaphore, #tpu.memory_space<semaphore_mem>>) src(%arg9 : memref<128x32xf32, #tpu.memory_space<vmem>>) dst(%dma_wait3A_86 : memref<10112x32xf32, #tpu.memory_space<vmem_shared>>)
        tpu.yield
      }) : () -> ()
      %add3A_48 = arith.constant 2 : i32
      %add3A_49 = arith.addi %add3A_41, %add3A_48 : i32
      %dma_start3A_50 = arith.constant 0 : i32
      %dma_start3A_51 = tpu.memref_slice %arg7[%add3A_49, %dma_start3A_50] : memref<40x128xi32, #tpu.memory_space<vmem>> -> memref<1x128xi32, #tpu.memory_space<vmem>>
      %dma_start3A_52 = tpu.memref_squeeze %dma_start3A_51 : memref<1x128xi32, #tpu.memory_space<vmem>> -> memref<128xi32, #tpu.memory_space<vmem>>
      %dma_start3A_53 = arith.constant 0 : i32
      %dma_start3A_54 = arith.constant 0 : i32
      %dma_start3A_55 = tpu.memref_slice %arg2[%dma_start3A_53, %dma_start3A_54] : memref<10112x32xf32, #tpu.memory_space<hbm>> -> memref<10112x32xf32, #tpu.memory_space<hbm>>
      tpu.enqueue_indirect_dma source(%dma_start3A_55 : memref<10112x32xf32, #tpu.memory_space<hbm>>) target(%arg9 : memref<128x32xf32, #tpu.memory_space<vmem>>) offsets(%dma_start3A_52 : memref<128xi32, #tpu.memory_space<vmem>>) semaphore(%arg12 : memref<!tpu.dma_semaphore, #tpu.memory_space<semaphore_mem>>)
      %mul3A_56 = arith.constant 2 : i32
      %mul3A_57 = arith.muli %scan3A_37, %mul3A_56 : i32
      %add3A_58 = arith.constant 1 : i32
      %add3A_59 = arith.addi %mul3A_57, %add3A_58 : i32
      %dma_wait3A_60 = arith.constant 0 : i32
      %dma_wait3A_61 = arith.constant 0 : i32
      %dma_wait3A_62 = tpu.memref_slice %arg2[%dma_wait3A_60, %dma_wait3A_61] : memref<10112x32xf32, #tpu.memory_space<hbm>> -> memref<128x32xf32, #tpu.memory_space<hbm>>
      %dma_wait3A_63 = arith.constant 0 : i32
      %dma_wait3A_64 = arith.constant 0 : i32
      %dma_wait3A_65 = tpu.memref_slice %arg2[%dma_wait3A_63, %dma_wait3A_64] : memref<10112x32xf32, #tpu.memory_space<hbm>> -> memref<128x32xf32, #tpu.memory_space<hbm>>
      tpu.wait_dma2 semaphore(%arg13 : memref<!tpu.dma_semaphore, #tpu.memory_space<semaphore_mem>>) src(%dma_wait3A_65 : memref<128x32xf32, #tpu.memory_space<hbm>>) dst(%arg10 : memref<128x32xf32, #tpu.memory_space<vmem>>)
      "tpu.region"() ({
        %run_scoped3A_74 = tpu.sem_alloc : memref<!tpu.dma_semaphore, #tpu.memory_space<semaphore_mem>>
        %dma_start3A_75 = arith.constant 0 : i32
        %dma_start3A_76 = tpu.memref_slice %arg8[%add3A_59, %dma_start3A_75] : memref<40x128xi32, #tpu.memory_space<vmem>> -> memref<1x128xi32, #tpu.memory_space<vmem>>
        %dma_start3A_77 = tpu.memref_squeeze %dma_start3A_76 : memref<1x128xi32, #tpu.memory_space<vmem>> -> memref<128xi32, #tpu.memory_space<vmem>>
        %dma_start3A_78 = arith.constant 0 : i32
        %dma_start3A_79 = arith.constant 0 : i32
        %dma_start3A_80 = tpu.memref_slice %arg11[%dma_start3A_78, %dma_start3A_79] : memref<10112x32xf32, #tpu.memory_space<vmem_shared>> -> memref<10112x32xf32, #tpu.memory_space<vmem_shared>>
        tpu.enqueue_indirect_dma source(%arg10 : memref<128x32xf32, #tpu.memory_space<vmem>>) target(%dma_start3A_80 : memref<10112x32xf32, #tpu.memory_space<vmem_shared>>) offsets(%dma_start3A_77 : memref<128xi32, #tpu.memory_space<vmem>>) semaphore(%run_scoped3A_74 : memref<!tpu.dma_semaphore, #tpu.memory_space<semaphore_mem>>) {add = true}
        %dma_wait3A_81 = arith.constant 0 : i32
        %dma_wait3A_82 = tpu.memref_slice %arg8[%add3A_59, %dma_wait3A_81] : memref<40x128xi32, #tpu.memory_space<vmem>> -> memref<1x128xi32, #tpu.memory_space<vmem>>
        %dma_wait3A_83 = tpu.memref_squeeze %dma_wait3A_82 : memref<1x128xi32, #tpu.memory_space<vmem>> -> memref<128xi32, #tpu.memory_space<vmem>>
        %dma_wait3A_84 = arith.constant 0 : i32
        %dma_wait3A_85 = arith.constant 0 : i32
        %dma_wait3A_86 = tpu.memref_slice %arg11[%dma_wait3A_84, %dma_wait3A_85] : memref<10112x32xf32, #tpu.memory_space<vmem_shared>> -> memref<10112x32xf32, #tpu.memory_space<vmem_shared>>
        tpu.wait_indirect_dma semaphore(%run_scoped3A_74 : memref<!tpu.dma_semaphore, #tpu.memory_space<semaphore_mem>>) src(%arg10 : memref<128x32xf32, #tpu.memory_space<vmem>>) dst(%dma_wait3A_86 : memref<10112x32xf32, #tpu.memory_space<vmem_shared>>)
        tpu.yield
      }) : () -> ()
      %add3A_66 = arith.constant 2 : i32
      %add3A_67 = arith.addi %add3A_59, %add3A_66 : i32
      %dma_start3A_68 = arith.constant 0 : i32
      %dma_start3A_69 = tpu.memref_slice %arg7[%add3A_67, %dma_start3A_68] : memref<40x128xi32, #tpu.memory_space<vmem>> -> memref<1x128xi32, #tpu.memory_space<vmem>>
      %dma_start3A_70 = tpu.memref_squeeze %dma_start3A_69 : memref<1x128xi32, #tpu.memory_space<vmem>> -> memref<128xi32, #tpu.memory_space<vmem>>
      %dma_start3A_71 = arith.constant 0 : i32
      %dma_start3A_72 = arith.constant 0 : i32
      %dma_start3A_73 = tpu.memref_slice %arg2[%dma_start3A_71, %dma_start3A_72] : memref<10112x32xf32, #tpu.memory_space<hbm>> -> memref<10112x32xf32, #tpu.memory_space<hbm>>
      tpu.enqueue_indirect_dma source(%dma_start3A_73 : memref<10112x32xf32, #tpu.memory_space<hbm>>) target(%arg10 : memref<128x32xf32, #tpu.memory_space<vmem>>) offsets(%dma_start3A_70 : memref<128xi32, #tpu.memory_space<vmem>>) semaphore(%arg13 : memref<!tpu.dma_semaphore, #tpu.memory_space<semaphore_mem>>)
    }
    %scan3A_20 = arith.constant 19 : i32
    %dma_wait3A = arith.constant 0 : i32
    %dma_wait3A_21 = arith.constant 0 : i32
    %dma_wait3A_22 = tpu.memref_slice %arg2[%dma_wait3A, %dma_wait3A_21] : memref<10112x32xf32, #tpu.memory_space<hbm>> -> memref<128x32xf32, #tpu.memory_space<hbm>>
    %dma_wait3A_23 = arith.constant 0 : i32
    %dma_wait3A_24 = arith.constant 0 : i32
    %dma_wait3A_25 = tpu.memref_slice %arg2[%dma_wait3A_23, %dma_wait3A_24] : memref<10112x32xf32, #tpu.memory_space<hbm>> -> memref<128x32xf32, #tpu.memory_space<hbm>>
    tpu.wait_dma2 semaphore(%arg12 : memref<!tpu.dma_semaphore, #tpu.memory_space<semaphore_mem>>) src(%dma_wait3A_25 : memref<128x32xf32, #tpu.memory_space<hbm>>) dst(%arg9 : memref<128x32xf32, #tpu.memory_space<vmem>>)
    %run_scoped3A = arith.constant 38 : i32
    "tpu.region"() ({
      %run_scoped3A_37 = tpu.sem_alloc : memref<!tpu.dma_semaphore, #tpu.memory_space<semaphore_mem>>
      %dma_start3A_38 = arith.constant 0 : i32
      %dma_start3A_39 = tpu.memref_slice %arg8[%run_scoped3A, %dma_start3A_38] : memref<40x128xi32, #tpu.memory_space<vmem>> -> memref<1x128xi32, #tpu.memory_space<vmem>>
      %dma_start3A_40 = tpu.memref_squeeze %dma_start3A_39 : memref<1x128xi32, #tpu.memory_space<vmem>> -> memref<128xi32, #tpu.memory_space<vmem>>
      %dma_start3A_41 = arith.constant 0 : i32
      %dma_start3A_42 = arith.constant 0 : i32
      %dma_start3A_43 = tpu.memref_slice %arg11[%dma_start3A_41, %dma_start3A_42] : memref<10112x32xf32, #tpu.memory_space<vmem_shared>> -> memref<10112x32xf32, #tpu.memory_space<vmem_shared>>
      tpu.enqueue_indirect_dma source(%arg9 : memref<128x32xf32, #tpu.memory_space<vmem>>) target(%dma_start3A_43 : memref<10112x32xf32, #tpu.memory_space<vmem_shared>>) offsets(%dma_start3A_40 : memref<128xi32, #tpu.memory_space<vmem>>) semaphore(%run_scoped3A_37 : memref<!tpu.dma_semaphore, #tpu.memory_space<semaphore_mem>>) {add = true}
      %dma_wait3A_44 = arith.constant 0 : i32
      %dma_wait3A_45 = tpu.memref_slice %arg8[%run_scoped3A, %dma_wait3A_44] : memref<40x128xi32, #tpu.memory_space<vmem>> -> memref<1x128xi32, #tpu.memory_space<vmem>>
      %dma_wait3A_46 = tpu.memref_squeeze %dma_wait3A_45 : memref<1x128xi32, #tpu.memory_space<vmem>> -> memref<128xi32, #tpu.memory_space<vmem>>
      %dma_wait3A_47 = arith.constant 0 : i32
      %dma_wait3A_48 = arith.constant 0 : i32
      %dma_wait3A_49 = tpu.memref_slice %arg11[%dma_wait3A_47, %dma_wait3A_48] : memref<10112x32xf32, #tpu.memory_space<vmem_shared>> -> memref<10112x32xf32, #tpu.memory_space<vmem_shared>>
      tpu.wait_indirect_dma semaphore(%run_scoped3A_37 : memref<!tpu.dma_semaphore, #tpu.memory_space<semaphore_mem>>) src(%arg9 : memref<128x32xf32, #tpu.memory_space<vmem>>) dst(%dma_wait3A_49 : memref<10112x32xf32, #tpu.memory_space<vmem_shared>>)
      tpu.yield
    }) : () -> ()
    %dma_wait3A_26 = arith.constant 0 : i32
    %dma_wait3A_27 = arith.constant 0 : i32
    %dma_wait3A_28 = tpu.memref_slice %arg2[%dma_wait3A_26, %dma_wait3A_27] : memref<10112x32xf32, #tpu.memory_space<hbm>> -> memref<128x32xf32, #tpu.memory_space<hbm>>
    %dma_wait3A_29 = arith.constant 0 : i32
    %dma_wait3A_30 = arith.constant 0 : i32
    %dma_wait3A_31 = tpu.memref_slice %arg2[%dma_wait3A_29, %dma_wait3A_30] : memref<10112x32xf32, #tpu.memory_space<hbm>> -> memref<128x32xf32, #tpu.memory_space<hbm>>
    tpu.wait_dma2 semaphore(%arg13 : memref<!tpu.dma_semaphore, #tpu.memory_space<semaphore_mem>>) src(%dma_wait3A_31 : memref<128x32xf32, #tpu.memory_space<hbm>>) dst(%arg10 : memref<128x32xf32, #tpu.memory_space<vmem>>)
    %run_scoped3A_32 = arith.constant 39 : i32
    "tpu.region"() ({
      %run_scoped3A_37 = tpu.sem_alloc : memref<!tpu.dma_semaphore, #tpu.memory_space<semaphore_mem>>
      %dma_start3A_38 = arith.constant 0 : i32
      %dma_start3A_39 = tpu.memref_slice %arg8[%run_scoped3A_32, %dma_start3A_38] : memref<40x128xi32, #tpu.memory_space<vmem>> -> memref<1x128xi32, #tpu.memory_space<vmem>>
      %dma_start3A_40 = tpu.memref_squeeze %dma_start3A_39 : memref<1x128xi32, #tpu.memory_space<vmem>> -> memref<128xi32, #tpu.memory_space<vmem>>
      %dma_start3A_41 = arith.constant 0 : i32
      %dma_start3A_42 = arith.constant 0 : i32
      %dma_start3A_43 = tpu.memref_slice %arg11[%dma_start3A_41, %dma_start3A_42] : memref<10112x32xf32, #tpu.memory_space<vmem_shared>> -> memref<10112x32xf32, #tpu.memory_space<vmem_shared>>
      tpu.enqueue_indirect_dma source(%arg10 : memref<128x32xf32, #tpu.memory_space<vmem>>) target(%dma_start3A_43 : memref<10112x32xf32, #tpu.memory_space<vmem_shared>>) offsets(%dma_start3A_40 : memref<128xi32, #tpu.memory_space<vmem>>) semaphore(%run_scoped3A_37 : memref<!tpu.dma_semaphore, #tpu.memory_space<semaphore_mem>>) {add = true}
      %dma_wait3A_44 = arith.constant 0 : i32
      %dma_wait3A_45 = tpu.memref_slice %arg8[%run_scoped3A_32, %dma_wait3A_44] : memref<40x128xi32, #tpu.memory_space<vmem>> -> memref<1x128xi32, #tpu.memory_space<vmem>>
      %dma_wait3A_46 = tpu.memref_squeeze %dma_wait3A_45 : memref<1x128xi32, #tpu.memory_space<vmem>> -> memref<128xi32, #tpu.memory_space<vmem>>
      %dma_wait3A_47 = arith.constant 0 : i32
      %dma_wait3A_48 = arith.constant 0 : i32
      %dma_wait3A_49 = tpu.memref_slice %arg11[%dma_wait3A_47, %dma_wait3A_48] : memref<10112x32xf32, #tpu.memory_space<vmem_shared>> -> memref<10112x32xf32, #tpu.memory_space<vmem_shared>>
      tpu.wait_indirect_dma semaphore(%run_scoped3A_37 : memref<!tpu.dma_semaphore, #tpu.memory_space<semaphore_mem>>) src(%arg10 : memref<128x32xf32, #tpu.memory_space<vmem>>) dst(%dma_wait3A_49 : memref<10112x32xf32, #tpu.memory_space<vmem_shared>>)
      tpu.yield
    }) : () -> ()
    %barrier3A_33 = arith.constant 0 : index
    tpu.barrier barrier_id(%barrier3A_33)
    %mul3A_34 = arith.constant 10112 : i32
    %mul3A_35 = arith.muli %arg0, %mul3A_34 : i32
    %add3A_36 = arith.addi %mul3A_35, %mul3A_2 : i32
    "tpu.region"() ({
      %run_scoped3A_37 = tpu.sem_alloc : memref<!tpu.dma_semaphore, #tpu.memory_space<semaphore_mem>>
      %dma_start3A_38 = arith.constant 0 : i32
      %dma_start3A_39 = tpu.memref_slice %arg6[%add3A_36, %dma_start3A_38] : memref<20224x32xf32, #tpu.memory_space<hbm>> -> memref<632x32xf32, #tpu.memory_space<hbm>>
      %dma_start3A_40 = arith.constant 0 : i32
      %dma_start3A_41 = tpu.memref_slice %arg11[%mul3A_2, %dma_start3A_40] : memref<10112x32xf32, #tpu.memory_space<vmem_shared>> -> memref<632x32xf32, #tpu.memory_space<vmem_shared>>
      tpu.enqueue_dma source(%dma_start3A_41 : memref<632x32xf32, #tpu.memory_space<vmem_shared>>) target(%dma_start3A_39 : memref<632x32xf32, #tpu.memory_space<hbm>>) target_semaphore(%run_scoped3A_37 : memref<!tpu.dma_semaphore, #tpu.memory_space<semaphore_mem>>)
      %dma_wait3A_42 = arith.constant 0 : i32
      %dma_wait3A_43 = tpu.memref_slice %arg6[%add3A_36, %dma_wait3A_42] : memref<20224x32xf32, #tpu.memory_space<hbm>> -> memref<632x32xf32, #tpu.memory_space<hbm>>
      %dma_wait3A_44 = arith.constant 0 : i32
      %dma_wait3A_45 = tpu.memref_slice %arg11[%mul3A_2, %dma_wait3A_44] : memref<10112x32xf32, #tpu.memory_space<vmem_shared>> -> memref<632x32xf32, #tpu.memory_space<vmem_shared>>
      tpu.wait_dma2 semaphore(%run_scoped3A_37 : memref<!tpu.dma_semaphore, #tpu.memory_space<semaphore_mem>>) src(%dma_wait3A_45 : memref<632x32xf32, #tpu.memory_space<vmem_shared>>) dst(%dma_wait3A_43 : memref<632x32xf32, #tpu.memory_space<hbm>>)
      tpu.yield
    }) : () -> ()
    return
  }
}

#map = affine_map<(d0, d1) -> (0, 0)>
#map1 = affine_map<(d0, d1) -> (0, 0, 0)>
module attributes {stable_mosaic.version = 14 : i64} {
  func.func @sc_fn(%arg0: i32, %arg1: i32, %arg2: memref<10112x48xf32, #tpu.memory_space<hbm>>, %arg3: memref<32x40x128xi32, #tpu.memory_space<hbm>>, %arg4: memref<32x40x128xi32, #tpu.memory_space<hbm>>, %arg5: memref<632x48xf32, #tpu.memory_space<hbm>>, %arg6: memref<20224x48xf32, #tpu.memory_space<hbm>>, %arg7: memref<40x128xi32, #tpu.memory_space<vmem>>, %arg8: memref<40x128xi32, #tpu.memory_space<vmem>>, %arg9: memref<128x48xf32, #tpu.memory_space<vmem>>, %arg10: memref<128x48xf32, #tpu.memory_space<vmem>>, %arg11: memref<10112x48xf32, #tpu.memory_space<vmem_shared>>, %arg12: memref<!tpu.dma_semaphore, #tpu.memory_space<semaphore_mem>>, %arg13: memref<!tpu.dma_semaphore, #tpu.memory_space<semaphore_mem>>) attributes {dimension_semantics = [#tpu.dimension_semantics<core_parallel>, #tpu.dimension_semantics<subcore_parallel>], iteration_bounds = array<i64: 2, 16>, scalar_prefetch = 0 : i64, scratch_operands = 7 : i64, tpu.core_type = #tpu.core_type<sc_vector_subcore>, window_params = [{transform_indices = #map}, {transform_indices = #map1}, {transform_indices = #map1}, {transform_indices = #map}, {transform_indices = #map}]} {
    %mul3A = arith.constant 16 : i32
    %mul3A_0 = arith.muli %arg0, %mul3A : i32
    %add3A = arith.addi %mul3A_0, %arg1 : i32
    "tpu.region"() ({
      %run_scoped3A_37 = tpu.sem_alloc : memref<!tpu.dma_semaphore, #tpu.memory_space<semaphore_mem>>
      %dma_start3A_38 = arith.constant 0 : i32
      %dma_start3A_39 = arith.constant 0 : i32
      %dma_start3A_40 = tpu.memref_slice %arg3[%add3A, %dma_start3A_38, %dma_start3A_39] : memref<32x40x128xi32, #tpu.memory_space<hbm>> -> memref<1x40x128xi32, #tpu.memory_space<hbm>>
      %dma_start3A_41 = tpu.memref_squeeze %dma_start3A_40 : memref<1x40x128xi32, #tpu.memory_space<hbm>> -> memref<40x128xi32, #tpu.memory_space<hbm>>
      %dma_start3A_42 = arith.constant 0 : i32
      %dma_start3A_43 = arith.constant 0 : i32
      %dma_start3A_44 = tpu.memref_slice %arg3[%add3A, %dma_start3A_42, %dma_start3A_43] : memref<32x40x128xi32, #tpu.memory_space<hbm>> -> memref<1x40x128xi32, #tpu.memory_space<hbm>>
      %dma_start3A_45 = tpu.memref_squeeze %dma_start3A_44 : memref<1x40x128xi32, #tpu.memory_space<hbm>> -> memref<40x128xi32, #tpu.memory_space<hbm>>
      tpu.enqueue_dma source(%dma_start3A_45 : memref<40x128xi32, #tpu.memory_space<hbm>>) target(%arg7 : memref<40x128xi32, #tpu.memory_space<vmem>>) target_semaphore(%run_scoped3A_37 : memref<!tpu.dma_semaphore, #tpu.memory_space<semaphore_mem>>)
      %dma_wait3A_46 = arith.constant 0 : i32
      %dma_wait3A_47 = arith.constant 0 : i32
      %dma_wait3A_48 = tpu.memref_slice %arg3[%add3A, %dma_wait3A_46, %dma_wait3A_47] : memref<32x40x128xi32, #tpu.memory_space<hbm>> -> memref<1x40x128xi32, #tpu.memory_space<hbm>>
      %dma_wait3A_49 = tpu.memref_squeeze %dma_wait3A_48 : memref<1x40x128xi32, #tpu.memory_space<hbm>> -> memref<40x128xi32, #tpu.memory_space<hbm>>
      %dma_wait3A_50 = arith.constant 0 : i32
      %dma_wait3A_51 = arith.constant 0 : i32
      %dma_wait3A_52 = tpu.memref_slice %arg3[%add3A, %dma_wait3A_50, %dma_wait3A_51] : memref<32x40x128xi32, #tpu.memory_space<hbm>> -> memref<1x40x128xi32, #tpu.memory_space<hbm>>
      %dma_wait3A_53 = tpu.memref_squeeze %dma_wait3A_52 : memref<1x40x128xi32, #tpu.memory_space<hbm>> -> memref<40x128xi32, #tpu.memory_space<hbm>>
      tpu.wait_dma2 semaphore(%run_scoped3A_37 : memref<!tpu.dma_semaphore, #tpu.memory_space<semaphore_mem>>) src(%dma_wait3A_53 : memref<40x128xi32, #tpu.memory_space<hbm>>) dst(%arg7 : memref<40x128xi32, #tpu.memory_space<vmem>>)
      tpu.yield
    }) : () -> ()
    "tpu.region"() ({
      %run_scoped3A_37 = tpu.sem_alloc : memref<!tpu.dma_semaphore, #tpu.memory_space<semaphore_mem>>
      %dma_start3A_38 = arith.constant 0 : i32
      %dma_start3A_39 = arith.constant 0 : i32
      %dma_start3A_40 = tpu.memref_slice %arg4[%add3A, %dma_start3A_38, %dma_start3A_39] : memref<32x40x128xi32, #tpu.memory_space<hbm>> -> memref<1x40x128xi32, #tpu.memory_space<hbm>>
      %dma_start3A_41 = tpu.memref_squeeze %dma_start3A_40 : memref<1x40x128xi32, #tpu.memory_space<hbm>> -> memref<40x128xi32, #tpu.memory_space<hbm>>
      %dma_start3A_42 = arith.constant 0 : i32
      %dma_start3A_43 = arith.constant 0 : i32
      %dma_start3A_44 = tpu.memref_slice %arg4[%add3A, %dma_start3A_42, %dma_start3A_43] : memref<32x40x128xi32, #tpu.memory_space<hbm>> -> memref<1x40x128xi32, #tpu.memory_space<hbm>>
      %dma_start3A_45 = tpu.memref_squeeze %dma_start3A_44 : memref<1x40x128xi32, #tpu.memory_space<hbm>> -> memref<40x128xi32, #tpu.memory_space<hbm>>
      tpu.enqueue_dma source(%dma_start3A_45 : memref<40x128xi32, #tpu.memory_space<hbm>>) target(%arg8 : memref<40x128xi32, #tpu.memory_space<vmem>>) target_semaphore(%run_scoped3A_37 : memref<!tpu.dma_semaphore, #tpu.memory_space<semaphore_mem>>)
      %dma_wait3A_46 = arith.constant 0 : i32
      %dma_wait3A_47 = arith.constant 0 : i32
      %dma_wait3A_48 = tpu.memref_slice %arg4[%add3A, %dma_wait3A_46, %dma_wait3A_47] : memref<32x40x128xi32, #tpu.memory_space<hbm>> -> memref<1x40x128xi32, #tpu.memory_space<hbm>>
      %dma_wait3A_49 = tpu.memref_squeeze %dma_wait3A_48 : memref<1x40x128xi32, #tpu.memory_space<hbm>> -> memref<40x128xi32, #tpu.memory_space<hbm>>
      %dma_wait3A_50 = arith.constant 0 : i32
      %dma_wait3A_51 = arith.constant 0 : i32
      %dma_wait3A_52 = tpu.memref_slice %arg4[%add3A, %dma_wait3A_50, %dma_wait3A_51] : memref<32x40x128xi32, #tpu.memory_space<hbm>> -> memref<1x40x128xi32, #tpu.memory_space<hbm>>
      %dma_wait3A_53 = tpu.memref_squeeze %dma_wait3A_52 : memref<1x40x128xi32, #tpu.memory_space<hbm>> -> memref<40x128xi32, #tpu.memory_space<hbm>>
      tpu.wait_dma2 semaphore(%run_scoped3A_37 : memref<!tpu.dma_semaphore, #tpu.memory_space<semaphore_mem>>) src(%dma_wait3A_53 : memref<40x128xi32, #tpu.memory_space<hbm>>) dst(%arg8 : memref<40x128xi32, #tpu.memory_space<vmem>>)
      tpu.yield
    }) : () -> ()
    %mul3A_1 = arith.constant 632 : i32
    %mul3A_2 = arith.muli %arg1, %mul3A_1 : i32
    "tpu.region"() ({
      %run_scoped3A_37 = tpu.sem_alloc : memref<!tpu.dma_semaphore, #tpu.memory_space<semaphore_mem>>
      %dma_start3A_38 = arith.constant 0 : i32
      %dma_start3A_39 = tpu.memref_slice %arg11[%mul3A_2, %dma_start3A_38] : memref<10112x48xf32, #tpu.memory_space<vmem_shared>> -> memref<632x48xf32, #tpu.memory_space<vmem_shared>>
      tpu.enqueue_dma source(%arg5 : memref<632x48xf32, #tpu.memory_space<hbm>>) target(%dma_start3A_39 : memref<632x48xf32, #tpu.memory_space<vmem_shared>>) target_semaphore(%run_scoped3A_37 : memref<!tpu.dma_semaphore, #tpu.memory_space<semaphore_mem>>)
      %dma_wait3A_40 = arith.constant 0 : i32
      %dma_wait3A_41 = tpu.memref_slice %arg11[%mul3A_2, %dma_wait3A_40] : memref<10112x48xf32, #tpu.memory_space<vmem_shared>> -> memref<632x48xf32, #tpu.memory_space<vmem_shared>>
      tpu.wait_dma2 semaphore(%run_scoped3A_37 : memref<!tpu.dma_semaphore, #tpu.memory_space<semaphore_mem>>) src(%arg5 : memref<632x48xf32, #tpu.memory_space<hbm>>) dst(%dma_wait3A_41 : memref<632x48xf32, #tpu.memory_space<vmem_shared>>)
      tpu.yield
    }) : () -> ()
    %barrier3A = arith.constant 0 : index
    tpu.barrier barrier_id(%barrier3A)
    %dma_start3A = arith.constant 0 : i32
    %dma_start3A_3 = arith.constant 0 : i32
    %dma_start3A_4 = tpu.memref_slice %arg7[%dma_start3A, %dma_start3A_3] : memref<40x128xi32, #tpu.memory_space<vmem>> -> memref<1x128xi32, #tpu.memory_space<vmem>>
    %dma_start3A_5 = tpu.memref_squeeze %dma_start3A_4 : memref<1x128xi32, #tpu.memory_space<vmem>> -> memref<128xi32, #tpu.memory_space<vmem>>
    %dma_start3A_6 = arith.constant 0 : i32
    %dma_start3A_7 = arith.constant 0 : i32
    %dma_start3A_8 = tpu.memref_slice %arg2[%dma_start3A_6, %dma_start3A_7] : memref<10112x48xf32, #tpu.memory_space<hbm>> -> memref<10112x48xf32, #tpu.memory_space<hbm>>
    tpu.enqueue_indirect_dma source(%dma_start3A_8 : memref<10112x48xf32, #tpu.memory_space<hbm>>) target(%arg9 : memref<128x48xf32, #tpu.memory_space<vmem>>) offsets(%dma_start3A_5 : memref<128xi32, #tpu.memory_space<vmem>>) semaphore(%arg12 : memref<!tpu.dma_semaphore, #tpu.memory_space<semaphore_mem>>)
    %dma_start3A_9 = arith.constant 1 : i32
    %dma_start3A_10 = arith.constant 0 : i32
    %dma_start3A_11 = tpu.memref_slice %arg7[%dma_start3A_9, %dma_start3A_10] : memref<40x128xi32, #tpu.memory_space<vmem>> -> memref<1x128xi32, #tpu.memory_space<vmem>>
    %dma_start3A_12 = tpu.memref_squeeze %dma_start3A_11 : memref<1x128xi32, #tpu.memory_space<vmem>> -> memref<128xi32, #tpu.memory_space<vmem>>
    %dma_start3A_13 = arith.constant 0 : i32
    %dma_start3A_14 = arith.constant 0 : i32
    %dma_start3A_15 = tpu.memref_slice %arg2[%dma_start3A_13, %dma_start3A_14] : memref<10112x48xf32, #tpu.memory_space<hbm>> -> memref<10112x48xf32, #tpu.memory_space<hbm>>
    tpu.enqueue_indirect_dma source(%dma_start3A_15 : memref<10112x48xf32, #tpu.memory_space<hbm>>) target(%arg10 : memref<128x48xf32, #tpu.memory_space<vmem>>) offsets(%dma_start3A_12 : memref<128xi32, #tpu.memory_space<vmem>>) semaphore(%arg13 : memref<!tpu.dma_semaphore, #tpu.memory_space<semaphore_mem>>)
    %scan3A = arith.constant 0 : i32
    %scan3A_16 = arith.constant 0 : i32
    %scan3A_17 = arith.constant 19 : i32
    %scan3A_18 = arith.addi %scan3A_16, %scan3A_17 : i32
    %scan3A_19 = arith.constant 1 : i32
    scf.for %scan3A_37 = %scan3A_16 to %scan3A_18 step %scan3A_19  : i32 {
      %mul3A_38 = arith.constant 2 : i32
      %mul3A_39 = arith.muli %scan3A_37, %mul3A_38 : i32
      %add3A_40 = arith.constant 0 : i32
      %add3A_41 = arith.addi %mul3A_39, %add3A_40 : i32
      %dma_wait3A_42 = arith.constant 0 : i32
      %dma_wait3A_43 = arith.constant 0 : i32
      %dma_wait3A_44 = tpu.memref_slice %arg2[%dma_wait3A_42, %dma_wait3A_43] : memref<10112x48xf32, #tpu.memory_space<hbm>> -> memref<128x48xf32, #tpu.memory_space<hbm>>
      %dma_wait3A_45 = arith.constant 0 : i32
      %dma_wait3A_46 = arith.constant 0 : i32
      %dma_wait3A_47 = tpu.memref_slice %arg2[%dma_wait3A_45, %dma_wait3A_46] : memref<10112x48xf32, #tpu.memory_space<hbm>> -> memref<128x48xf32, #tpu.memory_space<hbm>>
      tpu.wait_dma2 semaphore(%arg12 : memref<!tpu.dma_semaphore, #tpu.memory_space<semaphore_mem>>) src(%dma_wait3A_47 : memref<128x48xf32, #tpu.memory_space<hbm>>) dst(%arg9 : memref<128x48xf32, #tpu.memory_space<vmem>>)
      "tpu.region"() ({
        %run_scoped3A_74 = tpu.sem_alloc : memref<!tpu.dma_semaphore, #tpu.memory_space<semaphore_mem>>
        %dma_start3A_75 = arith.constant 0 : i32
        %dma_start3A_76 = tpu.memref_slice %arg8[%add3A_41, %dma_start3A_75] : memref<40x128xi32, #tpu.memory_space<vmem>> -> memref<1x128xi32, #tpu.memory_space<vmem>>
        %dma_start3A_77 = tpu.memref_squeeze %dma_start3A_76 : memref<1x128xi32, #tpu.memory_space<vmem>> -> memref<128xi32, #tpu.memory_space<vmem>>
        %dma_start3A_78 = arith.constant 0 : i32
        %dma_start3A_79 = arith.constant 0 : i32
        %dma_start3A_80 = tpu.memref_slice %arg11[%dma_start3A_78, %dma_start3A_79] : memref<10112x48xf32, #tpu.memory_space<vmem_shared>> -> memref<10112x48xf32, #tpu.memory_space<vmem_shared>>
        tpu.enqueue_indirect_dma source(%arg9 : memref<128x48xf32, #tpu.memory_space<vmem>>) target(%dma_start3A_80 : memref<10112x48xf32, #tpu.memory_space<vmem_shared>>) offsets(%dma_start3A_77 : memref<128xi32, #tpu.memory_space<vmem>>) semaphore(%run_scoped3A_74 : memref<!tpu.dma_semaphore, #tpu.memory_space<semaphore_mem>>) {add = true}
        %dma_wait3A_81 = arith.constant 0 : i32
        %dma_wait3A_82 = tpu.memref_slice %arg8[%add3A_41, %dma_wait3A_81] : memref<40x128xi32, #tpu.memory_space<vmem>> -> memref<1x128xi32, #tpu.memory_space<vmem>>
        %dma_wait3A_83 = tpu.memref_squeeze %dma_wait3A_82 : memref<1x128xi32, #tpu.memory_space<vmem>> -> memref<128xi32, #tpu.memory_space<vmem>>
        %dma_wait3A_84 = arith.constant 0 : i32
        %dma_wait3A_85 = arith.constant 0 : i32
        %dma_wait3A_86 = tpu.memref_slice %arg11[%dma_wait3A_84, %dma_wait3A_85] : memref<10112x48xf32, #tpu.memory_space<vmem_shared>> -> memref<10112x48xf32, #tpu.memory_space<vmem_shared>>
        tpu.wait_indirect_dma semaphore(%run_scoped3A_74 : memref<!tpu.dma_semaphore, #tpu.memory_space<semaphore_mem>>) src(%arg9 : memref<128x48xf32, #tpu.memory_space<vmem>>) dst(%dma_wait3A_86 : memref<10112x48xf32, #tpu.memory_space<vmem_shared>>)
        tpu.yield
      }) : () -> ()
      %add3A_48 = arith.constant 2 : i32
      %add3A_49 = arith.addi %add3A_41, %add3A_48 : i32
      %dma_start3A_50 = arith.constant 0 : i32
      %dma_start3A_51 = tpu.memref_slice %arg7[%add3A_49, %dma_start3A_50] : memref<40x128xi32, #tpu.memory_space<vmem>> -> memref<1x128xi32, #tpu.memory_space<vmem>>
      %dma_start3A_52 = tpu.memref_squeeze %dma_start3A_51 : memref<1x128xi32, #tpu.memory_space<vmem>> -> memref<128xi32, #tpu.memory_space<vmem>>
      %dma_start3A_53 = arith.constant 0 : i32
      %dma_start3A_54 = arith.constant 0 : i32
      %dma_start3A_55 = tpu.memref_slice %arg2[%dma_start3A_53, %dma_start3A_54] : memref<10112x48xf32, #tpu.memory_space<hbm>> -> memref<10112x48xf32, #tpu.memory_space<hbm>>
      tpu.enqueue_indirect_dma source(%dma_start3A_55 : memref<10112x48xf32, #tpu.memory_space<hbm>>) target(%arg9 : memref<128x48xf32, #tpu.memory_space<vmem>>) offsets(%dma_start3A_52 : memref<128xi32, #tpu.memory_space<vmem>>) semaphore(%arg12 : memref<!tpu.dma_semaphore, #tpu.memory_space<semaphore_mem>>)
      %mul3A_56 = arith.constant 2 : i32
      %mul3A_57 = arith.muli %scan3A_37, %mul3A_56 : i32
      %add3A_58 = arith.constant 1 : i32
      %add3A_59 = arith.addi %mul3A_57, %add3A_58 : i32
      %dma_wait3A_60 = arith.constant 0 : i32
      %dma_wait3A_61 = arith.constant 0 : i32
      %dma_wait3A_62 = tpu.memref_slice %arg2[%dma_wait3A_60, %dma_wait3A_61] : memref<10112x48xf32, #tpu.memory_space<hbm>> -> memref<128x48xf32, #tpu.memory_space<hbm>>
      %dma_wait3A_63 = arith.constant 0 : i32
      %dma_wait3A_64 = arith.constant 0 : i32
      %dma_wait3A_65 = tpu.memref_slice %arg2[%dma_wait3A_63, %dma_wait3A_64] : memref<10112x48xf32, #tpu.memory_space<hbm>> -> memref<128x48xf32, #tpu.memory_space<hbm>>
      tpu.wait_dma2 semaphore(%arg13 : memref<!tpu.dma_semaphore, #tpu.memory_space<semaphore_mem>>) src(%dma_wait3A_65 : memref<128x48xf32, #tpu.memory_space<hbm>>) dst(%arg10 : memref<128x48xf32, #tpu.memory_space<vmem>>)
      "tpu.region"() ({
        %run_scoped3A_74 = tpu.sem_alloc : memref<!tpu.dma_semaphore, #tpu.memory_space<semaphore_mem>>
        %dma_start3A_75 = arith.constant 0 : i32
        %dma_start3A_76 = tpu.memref_slice %arg8[%add3A_59, %dma_start3A_75] : memref<40x128xi32, #tpu.memory_space<vmem>> -> memref<1x128xi32, #tpu.memory_space<vmem>>
        %dma_start3A_77 = tpu.memref_squeeze %dma_start3A_76 : memref<1x128xi32, #tpu.memory_space<vmem>> -> memref<128xi32, #tpu.memory_space<vmem>>
        %dma_start3A_78 = arith.constant 0 : i32
        %dma_start3A_79 = arith.constant 0 : i32
        %dma_start3A_80 = tpu.memref_slice %arg11[%dma_start3A_78, %dma_start3A_79] : memref<10112x48xf32, #tpu.memory_space<vmem_shared>> -> memref<10112x48xf32, #tpu.memory_space<vmem_shared>>
        tpu.enqueue_indirect_dma source(%arg10 : memref<128x48xf32, #tpu.memory_space<vmem>>) target(%dma_start3A_80 : memref<10112x48xf32, #tpu.memory_space<vmem_shared>>) offsets(%dma_start3A_77 : memref<128xi32, #tpu.memory_space<vmem>>) semaphore(%run_scoped3A_74 : memref<!tpu.dma_semaphore, #tpu.memory_space<semaphore_mem>>) {add = true}
        %dma_wait3A_81 = arith.constant 0 : i32
        %dma_wait3A_82 = tpu.memref_slice %arg8[%add3A_59, %dma_wait3A_81] : memref<40x128xi32, #tpu.memory_space<vmem>> -> memref<1x128xi32, #tpu.memory_space<vmem>>
        %dma_wait3A_83 = tpu.memref_squeeze %dma_wait3A_82 : memref<1x128xi32, #tpu.memory_space<vmem>> -> memref<128xi32, #tpu.memory_space<vmem>>
        %dma_wait3A_84 = arith.constant 0 : i32
        %dma_wait3A_85 = arith.constant 0 : i32
        %dma_wait3A_86 = tpu.memref_slice %arg11[%dma_wait3A_84, %dma_wait3A_85] : memref<10112x48xf32, #tpu.memory_space<vmem_shared>> -> memref<10112x48xf32, #tpu.memory_space<vmem_shared>>
        tpu.wait_indirect_dma semaphore(%run_scoped3A_74 : memref<!tpu.dma_semaphore, #tpu.memory_space<semaphore_mem>>) src(%arg10 : memref<128x48xf32, #tpu.memory_space<vmem>>) dst(%dma_wait3A_86 : memref<10112x48xf32, #tpu.memory_space<vmem_shared>>)
        tpu.yield
      }) : () -> ()
      %add3A_66 = arith.constant 2 : i32
      %add3A_67 = arith.addi %add3A_59, %add3A_66 : i32
      %dma_start3A_68 = arith.constant 0 : i32
      %dma_start3A_69 = tpu.memref_slice %arg7[%add3A_67, %dma_start3A_68] : memref<40x128xi32, #tpu.memory_space<vmem>> -> memref<1x128xi32, #tpu.memory_space<vmem>>
      %dma_start3A_70 = tpu.memref_squeeze %dma_start3A_69 : memref<1x128xi32, #tpu.memory_space<vmem>> -> memref<128xi32, #tpu.memory_space<vmem>>
      %dma_start3A_71 = arith.constant 0 : i32
      %dma_start3A_72 = arith.constant 0 : i32
      %dma_start3A_73 = tpu.memref_slice %arg2[%dma_start3A_71, %dma_start3A_72] : memref<10112x48xf32, #tpu.memory_space<hbm>> -> memref<10112x48xf32, #tpu.memory_space<hbm>>
      tpu.enqueue_indirect_dma source(%dma_start3A_73 : memref<10112x48xf32, #tpu.memory_space<hbm>>) target(%arg10 : memref<128x48xf32, #tpu.memory_space<vmem>>) offsets(%dma_start3A_70 : memref<128xi32, #tpu.memory_space<vmem>>) semaphore(%arg13 : memref<!tpu.dma_semaphore, #tpu.memory_space<semaphore_mem>>)
    }
    %scan3A_20 = arith.constant 19 : i32
    %dma_wait3A = arith.constant 0 : i32
    %dma_wait3A_21 = arith.constant 0 : i32
    %dma_wait3A_22 = tpu.memref_slice %arg2[%dma_wait3A, %dma_wait3A_21] : memref<10112x48xf32, #tpu.memory_space<hbm>> -> memref<128x48xf32, #tpu.memory_space<hbm>>
    %dma_wait3A_23 = arith.constant 0 : i32
    %dma_wait3A_24 = arith.constant 0 : i32
    %dma_wait3A_25 = tpu.memref_slice %arg2[%dma_wait3A_23, %dma_wait3A_24] : memref<10112x48xf32, #tpu.memory_space<hbm>> -> memref<128x48xf32, #tpu.memory_space<hbm>>
    tpu.wait_dma2 semaphore(%arg12 : memref<!tpu.dma_semaphore, #tpu.memory_space<semaphore_mem>>) src(%dma_wait3A_25 : memref<128x48xf32, #tpu.memory_space<hbm>>) dst(%arg9 : memref<128x48xf32, #tpu.memory_space<vmem>>)
    %run_scoped3A = arith.constant 38 : i32
    "tpu.region"() ({
      %run_scoped3A_37 = tpu.sem_alloc : memref<!tpu.dma_semaphore, #tpu.memory_space<semaphore_mem>>
      %dma_start3A_38 = arith.constant 0 : i32
      %dma_start3A_39 = tpu.memref_slice %arg8[%run_scoped3A, %dma_start3A_38] : memref<40x128xi32, #tpu.memory_space<vmem>> -> memref<1x128xi32, #tpu.memory_space<vmem>>
      %dma_start3A_40 = tpu.memref_squeeze %dma_start3A_39 : memref<1x128xi32, #tpu.memory_space<vmem>> -> memref<128xi32, #tpu.memory_space<vmem>>
      %dma_start3A_41 = arith.constant 0 : i32
      %dma_start3A_42 = arith.constant 0 : i32
      %dma_start3A_43 = tpu.memref_slice %arg11[%dma_start3A_41, %dma_start3A_42] : memref<10112x48xf32, #tpu.memory_space<vmem_shared>> -> memref<10112x48xf32, #tpu.memory_space<vmem_shared>>
      tpu.enqueue_indirect_dma source(%arg9 : memref<128x48xf32, #tpu.memory_space<vmem>>) target(%dma_start3A_43 : memref<10112x48xf32, #tpu.memory_space<vmem_shared>>) offsets(%dma_start3A_40 : memref<128xi32, #tpu.memory_space<vmem>>) semaphore(%run_scoped3A_37 : memref<!tpu.dma_semaphore, #tpu.memory_space<semaphore_mem>>) {add = true}
      %dma_wait3A_44 = arith.constant 0 : i32
      %dma_wait3A_45 = tpu.memref_slice %arg8[%run_scoped3A, %dma_wait3A_44] : memref<40x128xi32, #tpu.memory_space<vmem>> -> memref<1x128xi32, #tpu.memory_space<vmem>>
      %dma_wait3A_46 = tpu.memref_squeeze %dma_wait3A_45 : memref<1x128xi32, #tpu.memory_space<vmem>> -> memref<128xi32, #tpu.memory_space<vmem>>
      %dma_wait3A_47 = arith.constant 0 : i32
      %dma_wait3A_48 = arith.constant 0 : i32
      %dma_wait3A_49 = tpu.memref_slice %arg11[%dma_wait3A_47, %dma_wait3A_48] : memref<10112x48xf32, #tpu.memory_space<vmem_shared>> -> memref<10112x48xf32, #tpu.memory_space<vmem_shared>>
      tpu.wait_indirect_dma semaphore(%run_scoped3A_37 : memref<!tpu.dma_semaphore, #tpu.memory_space<semaphore_mem>>) src(%arg9 : memref<128x48xf32, #tpu.memory_space<vmem>>) dst(%dma_wait3A_49 : memref<10112x48xf32, #tpu.memory_space<vmem_shared>>)
      tpu.yield
    }) : () -> ()
    %dma_wait3A_26 = arith.constant 0 : i32
    %dma_wait3A_27 = arith.constant 0 : i32
    %dma_wait3A_28 = tpu.memref_slice %arg2[%dma_wait3A_26, %dma_wait3A_27] : memref<10112x48xf32, #tpu.memory_space<hbm>> -> memref<128x48xf32, #tpu.memory_space<hbm>>
    %dma_wait3A_29 = arith.constant 0 : i32
    %dma_wait3A_30 = arith.constant 0 : i32
    %dma_wait3A_31 = tpu.memref_slice %arg2[%dma_wait3A_29, %dma_wait3A_30] : memref<10112x48xf32, #tpu.memory_space<hbm>> -> memref<128x48xf32, #tpu.memory_space<hbm>>
    tpu.wait_dma2 semaphore(%arg13 : memref<!tpu.dma_semaphore, #tpu.memory_space<semaphore_mem>>) src(%dma_wait3A_31 : memref<128x48xf32, #tpu.memory_space<hbm>>) dst(%arg10 : memref<128x48xf32, #tpu.memory_space<vmem>>)
    %run_scoped3A_32 = arith.constant 39 : i32
    "tpu.region"() ({
      %run_scoped3A_37 = tpu.sem_alloc : memref<!tpu.dma_semaphore, #tpu.memory_space<semaphore_mem>>
      %dma_start3A_38 = arith.constant 0 : i32
      %dma_start3A_39 = tpu.memref_slice %arg8[%run_scoped3A_32, %dma_start3A_38] : memref<40x128xi32, #tpu.memory_space<vmem>> -> memref<1x128xi32, #tpu.memory_space<vmem>>
      %dma_start3A_40 = tpu.memref_squeeze %dma_start3A_39 : memref<1x128xi32, #tpu.memory_space<vmem>> -> memref<128xi32, #tpu.memory_space<vmem>>
      %dma_start3A_41 = arith.constant 0 : i32
      %dma_start3A_42 = arith.constant 0 : i32
      %dma_start3A_43 = tpu.memref_slice %arg11[%dma_start3A_41, %dma_start3A_42] : memref<10112x48xf32, #tpu.memory_space<vmem_shared>> -> memref<10112x48xf32, #tpu.memory_space<vmem_shared>>
      tpu.enqueue_indirect_dma source(%arg10 : memref<128x48xf32, #tpu.memory_space<vmem>>) target(%dma_start3A_43 : memref<10112x48xf32, #tpu.memory_space<vmem_shared>>) offsets(%dma_start3A_40 : memref<128xi32, #tpu.memory_space<vmem>>) semaphore(%run_scoped3A_37 : memref<!tpu.dma_semaphore, #tpu.memory_space<semaphore_mem>>) {add = true}
      %dma_wait3A_44 = arith.constant 0 : i32
      %dma_wait3A_45 = tpu.memref_slice %arg8[%run_scoped3A_32, %dma_wait3A_44] : memref<40x128xi32, #tpu.memory_space<vmem>> -> memref<1x128xi32, #tpu.memory_space<vmem>>
      %dma_wait3A_46 = tpu.memref_squeeze %dma_wait3A_45 : memref<1x128xi32, #tpu.memory_space<vmem>> -> memref<128xi32, #tpu.memory_space<vmem>>
      %dma_wait3A_47 = arith.constant 0 : i32
      %dma_wait3A_48 = arith.constant 0 : i32
      %dma_wait3A_49 = tpu.memref_slice %arg11[%dma_wait3A_47, %dma_wait3A_48] : memref<10112x48xf32, #tpu.memory_space<vmem_shared>> -> memref<10112x48xf32, #tpu.memory_space<vmem_shared>>
      tpu.wait_indirect_dma semaphore(%run_scoped3A_37 : memref<!tpu.dma_semaphore, #tpu.memory_space<semaphore_mem>>) src(%arg10 : memref<128x48xf32, #tpu.memory_space<vmem>>) dst(%dma_wait3A_49 : memref<10112x48xf32, #tpu.memory_space<vmem_shared>>)
      tpu.yield
    }) : () -> ()
    %barrier3A_33 = arith.constant 0 : index
    tpu.barrier barrier_id(%barrier3A_33)
    %mul3A_34 = arith.constant 10112 : i32
    %mul3A_35 = arith.muli %arg0, %mul3A_34 : i32
    %add3A_36 = arith.addi %mul3A_35, %mul3A_2 : i32
    "tpu.region"() ({
      %run_scoped3A_37 = tpu.sem_alloc : memref<!tpu.dma_semaphore, #tpu.memory_space<semaphore_mem>>
      %dma_start3A_38 = arith.constant 0 : i32
      %dma_start3A_39 = tpu.memref_slice %arg6[%add3A_36, %dma_start3A_38] : memref<20224x48xf32, #tpu.memory_space<hbm>> -> memref<632x48xf32, #tpu.memory_space<hbm>>
      %dma_start3A_40 = arith.constant 0 : i32
      %dma_start3A_41 = tpu.memref_slice %arg11[%mul3A_2, %dma_start3A_40] : memref<10112x48xf32, #tpu.memory_space<vmem_shared>> -> memref<632x48xf32, #tpu.memory_space<vmem_shared>>
      tpu.enqueue_dma source(%dma_start3A_41 : memref<632x48xf32, #tpu.memory_space<vmem_shared>>) target(%dma_start3A_39 : memref<632x48xf32, #tpu.memory_space<hbm>>) target_semaphore(%run_scoped3A_37 : memref<!tpu.dma_semaphore, #tpu.memory_space<semaphore_mem>>)
      %dma_wait3A_42 = arith.constant 0 : i32
      %dma_wait3A_43 = tpu.memref_slice %arg6[%add3A_36, %dma_wait3A_42] : memref<20224x48xf32, #tpu.memory_space<hbm>> -> memref<632x48xf32, #tpu.memory_space<hbm>>
      %dma_wait3A_44 = arith.constant 0 : i32
      %dma_wait3A_45 = tpu.memref_slice %arg11[%mul3A_2, %dma_wait3A_44] : memref<10112x48xf32, #tpu.memory_space<vmem_shared>> -> memref<632x48xf32, #tpu.memory_space<vmem_shared>>
      tpu.wait_dma2 semaphore(%run_scoped3A_37 : memref<!tpu.dma_semaphore, #tpu.memory_space<semaphore_mem>>) src(%dma_wait3A_45 : memref<632x48xf32, #tpu.memory_space<vmem_shared>>) dst(%dma_wait3A_43 : memref<632x48xf32, #tpu.memory_space<hbm>>)
      tpu.yield
    }) : () -> ()
    return
  }
}

module attributes {stable_mosaic.version = 14 : i64} {
  func.func @_mm_body(%arg0: i32, %arg1: memref<1000x1433xf32, #tpu.memory_space<vmem>>, %arg2: memref<1433x64xf32, #tpu.memory_space<vmem>>, %arg3: memref<1000x64xf32, #tpu.memory_space<vmem>>) attributes {dimension_semantics = [#tpu.dimension_semantics<arbitrary>], iteration_bounds = array<i64: 10>, scalar_prefetch = 0 : i64, scratch_operands = 0 : i64, tpu.core_type = #tpu.core_type<tc>, window_params = [{transform_indices = @transform_0, window_bounds = array<i64: 1000, 1433>}, {pipeline_mode = #tpu.pipeline_mode<synchronous>, transform_indices = @transform_1, window_bounds = array<i64: 1433, 64>}, {transform_indices = @transform_2, window_bounds = array<i64: 1000, 64>}]} {
    %get3A = arith.constant 0 : index
    %get3A_0 = arith.constant 0 : index
    %get3A_1 = vector.load %arg1[%get3A, %get3A_0] : memref<1000x1433xf32, #tpu.memory_space<vmem>>, vector<1000x1433xf32>
    %get3A_2 = arith.constant 0 : index
    %get3A_3 = arith.constant 0 : index
    %get3A_4 = vector.load %arg2[%get3A_2, %get3A_3] : memref<1433x64xf32, #tpu.memory_space<vmem>>, vector<1433x64xf32>
    %convert_element_type3A = arith.truncf %get3A_1 : vector<1000x1433xf32> to vector<1000x1433xbf16>
    %convert_element_type3A_5 = arith.truncf %get3A_4 : vector<1433x64xf32> to vector<1433x64xbf16>
    %dot_general3A = arith.constant dense<0.000000e+00> : vector<1000x64xf32>
    %dot_general3A_6 = tpu.matmul %convert_element_type3A, %convert_element_type3A_5, %dot_general3A {dimension_numbers = #tpu.dot_dimension_numbers<[1], [0], [0], [1], [0, 0, 1, 1], [], []>, transpose_lhs_hint = false} : vector<1000x1433xbf16>, vector<1433x64xbf16>, vector<1000x64xf32> -> vector<1000x64xf32>
    %swap3A = arith.constant 0 : index
    %swap3A_7 = arith.constant 0 : index
    %swap3A_8 = vector.load %arg3[%swap3A, %swap3A_7] : memref<1000x64xf32, #tpu.memory_space<vmem>>, vector<1000x64xf32>
    tpu.vector_store %arg3[%swap3A, %swap3A_7], %dot_general3A_6 {strides = array<i32>} : memref<1000x64xf32, #tpu.memory_space<vmem>>, vector<1000x64xf32>,
    return
  }
  func.func @transform_0(%arg0: i32) -> (i32, i32) {
    %c0_i32 = arith.constant 0 : i32
    %c0_i32_0 = arith.constant 0 : i32
    return %arg0, %c0_i32 : i32, i32
  }
  func.func @transform_1(%arg0: i32) -> (i32, i32) {
    %c0_i32 = arith.constant 0 : i32
    %c0_i32_0 = arith.constant 0 : i32
    %c0_i32_1 = arith.constant 0 : i32
    return %c0_i32, %c0_i32_0 : i32, i32
  }
  func.func @transform_2(%arg0: i32) -> (i32, i32) {
    %c0_i32 = arith.constant 0 : i32
    %c0_i32_0 = arith.constant 0 : i32
    return %arg0, %c0_i32 : i32, i32
  }
}

module attributes {stable_mosaic.version = 14 : i64} {
  func.func @_c_body(%arg0: i32, %arg1: memref<2000x48xf32, #tpu.memory_space<vmem>>, %arg2: memref<2000x48xf32, #tpu.memory_space<vmem>>, %arg3: memref<2000x64xf32, #tpu.memory_space<vmem>>, %arg4: memref<1x32xf32, #tpu.memory_space<vmem>>, %arg5: memref<2000x32xf32, #tpu.memory_space<vmem>>, %arg6: memref<2000x32xf32, #tpu.memory_space<vmem>>, %arg7: memref<2000x32xf32, #tpu.memory_space<vmem>>, %arg8: memref<2000x1xf32, #tpu.memory_space<vmem>>) attributes {dimension_semantics = [#tpu.dimension_semantics<arbitrary>], iteration_bounds = array<i64: 5>, scalar_prefetch = 0 : i64, scratch_operands = 0 : i64, tpu.core_type = #tpu.core_type<tc>, window_params = [{transform_indices = @transform_0, window_bounds = array<i64: 2000, 48>}, {transform_indices = @transform_1, window_bounds = array<i64: 2000, 48>}, {transform_indices = @transform_2, window_bounds = array<i64: 2000, 64>}, {pipeline_mode = #tpu.pipeline_mode<synchronous>, transform_indices = @transform_3, window_bounds = array<i64: 1, 32>}, {transform_indices = @transform_4, window_bounds = array<i64: 2000, 32>}, {transform_indices = @transform_5, window_bounds = array<i64: 2000, 32>}, {transform_indices = @transform_6, window_bounds = array<i64: 2000, 32>}, {transform_indices = @transform_7, window_bounds = array<i64: 2000, 1>}]} {
    %get3A = arith.constant 0 : index
    %get3A_0 = arith.constant 0 : index
    %get3A_1 = vector.load %arg1[%get3A, %get3A_0] : memref<2000x48xf32, #tpu.memory_space<vmem>>, vector<2000x32xf32>
    %get3A_2 = arith.constant 0 : index
    %get3A_3 = arith.constant 0 : index
    %get3A_4 = vector.load %arg2[%get3A_2, %get3A_3] : memref<2000x48xf32, #tpu.memory_space<vmem>>, vector<2000x32xf32>
    %add3A = arith.addf %get3A_1, %get3A_4 : vector<2000x32xf32>
    %get3A_5 = arith.constant 0 : index
    %get3A_6 = arith.constant 32 : index
    %get3A_7 = vector.load %arg1[%get3A_5, %get3A_6] : memref<2000x48xf32, #tpu.memory_space<vmem>>, vector<2000x1xf32>
    %get3A_8 = arith.constant 0 : index
    %get3A_9 = arith.constant 32 : index
    %get3A_10 = vector.load %arg2[%get3A_8, %get3A_9] : memref<2000x48xf32, #tpu.memory_space<vmem>>, vector<2000x1xf32>
    %add3A_11 = arith.addf %get3A_7, %get3A_10 : vector<2000x1xf32>
    %max3A = arith.constant 1.000000e+00 : f32
    %max3A_12 = vector.broadcast %max3A : f32 to vector<2000x1xf32>
    %max3A_13 = arith.maximumf %add3A_11, %max3A_12 : vector<2000x1xf32>
    %div3A = vector.broadcast %max3A_13 : vector<2000x1xf32> to vector<2000x32xf32>
    %div3A_14 = arith.divf %add3A, %div3A : vector<2000x32xf32>
    %get3A_15 = arith.constant 0 : index
    %get3A_16 = arith.constant 32 : index
    %get3A_17 = vector.load %arg3[%get3A_15, %get3A_16] : memref<2000x64xf32, #tpu.memory_space<vmem>>, vector<2000x32xf32>
    %add3A_18 = arith.addf %div3A_14, %get3A_17 : vector<2000x32xf32>
    %get3A_19 = arith.constant 0 : index
    %get3A_20 = arith.constant 0 : index
    %get3A_21 = vector.load %arg4[%get3A_19, %get3A_20] : memref<1x32xf32, #tpu.memory_space<vmem>>, vector<1x32xf32>
    %add3A_22 = vector.broadcast %get3A_21 : vector<1x32xf32> to vector<2000x32xf32>
    %add3A_23 = arith.addf %add3A_18, %add3A_22 : vector<2000x32xf32>
    %max3A_24 = arith.constant 0.000000e+00 : f32
    %max3A_25 = vector.broadcast %max3A_24 : f32 to vector<2000x32xf32>
    %max3A_26 = arith.maximumf %add3A_23, %max3A_25 : vector<2000x32xf32>
    %get3A_27 = arith.constant 0 : index
    %get3A_28 = arith.constant 0 : index
    %get3A_29 = vector.load %arg5[%get3A_27, %get3A_28] : memref<2000x32xf32, #tpu.memory_space<vmem>>, vector<2000x32xf32>
    %mul3A = arith.mulf %max3A_26, %get3A_29 : vector<2000x32xf32>
    %get3A_30 = arith.constant 0 : index
    %get3A_31 = arith.constant 0 : index
    %get3A_32 = vector.load %arg6[%get3A_30, %get3A_31] : memref<2000x32xf32, #tpu.memory_space<vmem>>, vector<2000x32xf32>
    %reduce_min3A = arith.constant dense<0x7F800000> : vector<2000xf32>
    %reduce_min3A_33 = vector.multi_reduction <minimumf>, %mul3A, %reduce_min3A [1] : vector<2000x32xf32> to vector<2000xf32>
    %broadcast_in_dim3A = vector.shape_cast %reduce_min3A_33 : vector<2000xf32> to vector<2000x1xf32>
    %reduce_max3A = arith.constant dense<0xFF800000> : vector<2000xf32>
    %reduce_max3A_34 = vector.multi_reduction <maximumf>, %mul3A, %reduce_max3A [1] : vector<2000x32xf32> to vector<2000xf32>
    %broadcast_in_dim3A_35 = vector.shape_cast %reduce_max3A_34 : vector<2000xf32> to vector<2000x1xf32>
    %sub3A = arith.subf %broadcast_in_dim3A_35, %broadcast_in_dim3A : vector<2000x1xf32>
    %gt3A = arith.constant 0.000000e+00 : f32
    %gt3A_36 = vector.broadcast %gt3A : f32 to vector<2000x1xf32>
    %gt3A_37 = arith.cmpf ogt, %sub3A, %gt3A_36 : vector<2000x1xf32>
    %jit3A = arith.constant 1.000000e+00 : f32
    %broadcast_in_dim3A_38 = vector.broadcast %jit3A : f32 to vector<2000x1xf32>
    %select_n3A = arith.select %gt3A_37, %sub3A, %broadcast_in_dim3A_38 : vector<2000x1xi1>, vector<2000x1xf32>
    %sub3A_39 = vector.broadcast %broadcast_in_dim3A : vector<2000x1xf32> to vector<2000x32xf32>
    %sub3A_40 = arith.subf %mul3A, %sub3A_39 : vector<2000x32xf32>
    %mul3A_41 = arith.constant 6.400000e+01 : f32
    %mul3A_42 = vector.broadcast %mul3A_41 : f32 to vector<2000x32xf32>
    %mul3A_43 = arith.mulf %mul3A_42, %sub3A_40 : vector<2000x32xf32>
    %div3A_44 = vector.broadcast %select_n3A : vector<2000x1xf32> to vector<2000x32xf32>
    %div3A_45 = arith.divf %mul3A_43, %div3A_44 : vector<2000x32xf32>
    %floor3A = math.floor %div3A_45 : vector<2000x32xf32>
    %sub3A_46 = arith.subf %div3A_45, %floor3A : vector<2000x32xf32>
    %gt3A_47 = arith.cmpf ogt, %sub3A_46, %get3A_32 : vector<2000x32xf32>
    %convert_element_type3A = arith.extui %gt3A_47 : vector<2000x32xi1> to vector<2000x32xi32>
    %convert_element_type3A_48 = arith.sitofp %convert_element_type3A : vector<2000x32xi32> to vector<2000x32xf32>
    %add3A_49 = arith.addf %floor3A, %convert_element_type3A_48 : vector<2000x32xf32>
    %swap3A = arith.constant 0 : index
    %swap3A_50 = arith.constant 0 : index
    %swap3A_51 = vector.load %arg7[%swap3A, %swap3A_50] : memref<2000x32xf32, #tpu.memory_space<vmem>>, vector<2000x32xf32>
    tpu.vector_store %arg7[%swap3A, %swap3A_50], %add3A_49 {strides = array<i32>} : memref<2000x32xf32, #tpu.memory_space<vmem>>, vector<2000x32xf32>,
    %swap3A_52 = arith.constant 0 : index
    %swap3A_53 = arith.constant 0 : index
    %swap3A_54 = vector.load %arg8[%swap3A_52, %swap3A_53] : memref<2000x1xf32, #tpu.memory_space<vmem>>, vector<2000x1xf32>
    tpu.vector_store %arg8[%swap3A_52, %swap3A_53], %max3A_13 {strides = array<i32>} : memref<2000x1xf32, #tpu.memory_space<vmem>>, vector<2000x1xf32>,
    return
  }
  func.func @transform_0(%arg0: i32) -> (i32, i32) {
    %c0_i32 = arith.constant 0 : i32
    %c0_i32_0 = arith.constant 0 : i32
    return %arg0, %c0_i32 : i32, i32
  }
  func.func @transform_1(%arg0: i32) -> (i32, i32) {
    %c0_i32 = arith.constant 0 : i32
    %c0_i32_0 = arith.constant 0 : i32
    return %arg0, %c0_i32 : i32, i32
  }
  func.func @transform_2(%arg0: i32) -> (i32, i32) {
    %c0_i32 = arith.constant 0 : i32
    %c0_i32_0 = arith.constant 0 : i32
    return %arg0, %c0_i32 : i32, i32
  }
  func.func @transform_3(%arg0: i32) -> (i32, i32) {
    %c0_i32 = arith.constant 0 : i32
    %c0_i32_0 = arith.constant 0 : i32
    %c0_i32_1 = arith.constant 0 : i32
    return %c0_i32, %c0_i32_0 : i32, i32
  }
  func.func @transform_4(%arg0: i32) -> (i32, i32) {
    %c0_i32 = arith.constant 0 : i32
    %c0_i32_0 = arith.constant 0 : i32
    return %arg0, %c0_i32 : i32, i32
  }
  func.func @transform_5(%arg0: i32) -> (i32, i32) {
    %c0_i32 = arith.constant 0 : i32
    %c0_i32_0 = arith.constant 0 : i32
    return %arg0, %c0_i32 : i32, i32
  }
  func.func @transform_6(%arg0: i32) -> (i32, i32) {
    %c0_i32 = arith.constant 0 : i32
    %c0_i32_0 = arith.constant 0 : i32
    return %arg0, %c0_i32 : i32, i32
  }
  func.func @transform_7(%arg0: i32) -> (i32, i32) {
    %c0_i32 = arith.constant 0 : i32
    %c0_i32_0 = arith.constant 0 : i32
    return %arg0, %c0_i32 : i32, i32
  }
}

module attributes {stable_mosaic.version = 14 : i64} {
  func.func @_e_body(%arg0: i32, %arg1: memref<2000x32xf32, #tpu.memory_space<vmem>>, %arg2: memref<2000x32xf32, #tpu.memory_space<vmem>>, %arg3: memref<2000x32xf32, #tpu.memory_space<vmem>>, %arg4: memref<2000x1xf32, #tpu.memory_space<vmem>>, %arg5: memref<32x32xf32, #tpu.memory_space<vmem>>, %arg6: memref<32x32xf32, #tpu.memory_space<vmem>>, %arg7: memref<1x32xf32, #tpu.memory_space<vmem>>, %arg8: memref<2000x32xf32, #tpu.memory_space<vmem>>, %arg9: memref<2000x32xf32, #tpu.memory_space<vmem>>, %arg10: memref<2000x32xf32, #tpu.memory_space<vmem>>, %arg11: memref<32x32xf32, #tpu.memory_space<vmem>>, %arg12: memref<1x32xf32, #tpu.memory_space<vmem>>, %arg13: memref<32x7xf32, #tpu.memory_space<vmem>>, %arg14: memref<1x7xf32, #tpu.memory_space<vmem>>, %arg15: memref<2000x7xf32, #tpu.memory_space<vmem>>) attributes {dimension_semantics = [#tpu.dimension_semantics<arbitrary>], iteration_bounds = array<i64: 5>, scalar_prefetch = 0 : i64, scratch_operands = 0 : i64, tpu.core_type = #tpu.core_type<tc>, window_params = [{transform_indices = @transform_0, window_bounds = array<i64: 2000, 32>}, {transform_indices = @transform_1, window_bounds = array<i64: 2000, 32>}, {transform_indices = @transform_2, window_bounds = array<i64: 2000, 32>}, {transform_indices = @transform_3, window_bounds = array<i64: 2000, 1>}, {pipeline_mode = #tpu.pipeline_mode<synchronous>, transform_indices = @transform_4, window_bounds = array<i64: 32, 32>}, {pipeline_mode = #tpu.pipeline_mode<synchronous>, transform_indices = @transform_5, window_bounds = array<i64: 32, 32>}, {pipeline_mode = #tpu.pipeline_mode<synchronous>, transform_indices = @transform_6, window_bounds = array<i64: 1, 32>}, {transform_indices = @transform_7, window_bounds = array<i64: 2000, 32>}, {transform_indices = @transform_8, window_bounds = array<i64: 2000, 32>}, {transform_indices = @transform_9, window_bounds = array<i64: 2000, 32>}, {pipeline_mode = #tpu.pipeline_mode<synchronous>, transform_indices = @transform_10, window_bounds = array<i64: 32, 32>}, {pipeline_mode = #tpu.pipeline_mode<synchronous>, transform_indices = @transform_11, window_bounds = array<i64: 1, 32>}, {pipeline_mode = #tpu.pipeline_mode<synchronous>, transform_indices = @transform_12, window_bounds = array<i64: 32, 7>}, {pipeline_mode = #tpu.pipeline_mode<synchronous>, transform_indices = @transform_13, window_bounds = array<i64: 1, 7>}, {transform_indices = @transform_14, window_bounds = array<i64: 2000, 7>}]} {
    %get3A = arith.constant 0 : index
    %get3A_0 = arith.constant 0 : index
    %get3A_1 = vector.load %arg1[%get3A, %get3A_0] : memref<2000x32xf32, #tpu.memory_space<vmem>>, vector<2000x32xf32>
    %get3A_2 = arith.constant 0 : index
    %get3A_3 = arith.constant 0 : index
    %get3A_4 = vector.load %arg2[%get3A_2, %get3A_3] : memref<2000x32xf32, #tpu.memory_space<vmem>>, vector<2000x32xf32>
    %add3A = arith.addf %get3A_1, %get3A_4 : vector<2000x32xf32>
    %get3A_5 = arith.constant 0 : index
    %get3A_6 = arith.constant 0 : index
    %get3A_7 = vector.load %arg4[%get3A_5, %get3A_6] : memref<2000x1xf32, #tpu.memory_space<vmem>>, vector<2000x1xf32>
    %div3A = vector.broadcast %get3A_7 : vector<2000x1xf32> to vector<2000x32xf32>
    %div3A_8 = arith.divf %add3A, %div3A : vector<2000x32xf32>
    %get3A_9 = arith.constant 0 : index
    %get3A_10 = arith.constant 0 : index
    %get3A_11 = vector.load %arg5[%get3A_9, %get3A_10] : memref<32x32xf32, #tpu.memory_space<vmem>>, vector<32x32xf32>
    %convert_element_type3A = arith.truncf %div3A_8 : vector<2000x32xf32> to vector<2000x32xbf16>
    %convert_element_type3A_12 = arith.truncf %get3A_11 : vector<32x32xf32> to vector<32x32xbf16>
    %dot_general3A = arith.constant dense<0.000000e+00> : vector<2000x32xf32>
    %dot_general3A_13 = tpu.matmul %convert_element_type3A, %convert_element_type3A_12, %dot_general3A {dimension_numbers = #tpu.dot_dimension_numbers<[1], [0], [0], [1], [0, 0, 1, 1], [], []>, transpose_lhs_hint = false} : vector<2000x32xbf16>, vector<32x32xbf16>, vector<2000x32xf32> -> vector<2000x32xf32>
    %get3A_14 = arith.constant 0 : index
    %get3A_15 = arith.constant 0 : index
    %get3A_16 = vector.load %arg3[%get3A_14, %get3A_15] : memref<2000x32xf32, #tpu.memory_space<vmem>>, vector<2000x32xf32>
    %get3A_17 = arith.constant 0 : index
    %get3A_18 = arith.constant 0 : index
    %get3A_19 = vector.load %arg6[%get3A_17, %get3A_18] : memref<32x32xf32, #tpu.memory_space<vmem>>, vector<32x32xf32>
    %convert_element_type3A_20 = arith.truncf %get3A_16 : vector<2000x32xf32> to vector<2000x32xbf16>
    %convert_element_type3A_21 = arith.truncf %get3A_19 : vector<32x32xf32> to vector<32x32xbf16>
    %dot_general3A_22 = arith.constant dense<0.000000e+00> : vector<2000x32xf32>
    %dot_general3A_23 = tpu.matmul %convert_element_type3A_20, %convert_element_type3A_21, %dot_general3A_22 {dimension_numbers = #tpu.dot_dimension_numbers<[1], [0], [0], [1], [0, 0, 1, 1], [], []>, transpose_lhs_hint = false} : vector<2000x32xbf16>, vector<32x32xbf16>, vector<2000x32xf32> -> vector<2000x32xf32>
    %add3A_24 = arith.addf %dot_general3A_13, %dot_general3A_23 : vector<2000x32xf32>
    %get3A_25 = arith.constant 0 : index
    %get3A_26 = arith.constant 0 : index
    %get3A_27 = vector.load %arg7[%get3A_25, %get3A_26] : memref<1x32xf32, #tpu.memory_space<vmem>>, vector<1x32xf32>
    %add3A_28 = vector.broadcast %get3A_27 : vector<1x32xf32> to vector<2000x32xf32>
    %add3A_29 = arith.addf %add3A_24, %add3A_28 : vector<2000x32xf32>
    %max3A = arith.constant 0.000000e+00 : f32
    %max3A_30 = vector.broadcast %max3A : f32 to vector<2000x32xf32>
    %max3A_31 = arith.maximumf %add3A_29, %max3A_30 : vector<2000x32xf32>
    %get3A_32 = arith.constant 0 : index
    %get3A_33 = arith.constant 0 : index
    %get3A_34 = vector.load %arg8[%get3A_32, %get3A_33] : memref<2000x32xf32, #tpu.memory_space<vmem>>, vector<2000x32xf32>
    %mul3A = arith.mulf %max3A_31, %get3A_34 : vector<2000x32xf32>
    %get3A_35 = arith.constant 0 : index
    %get3A_36 = arith.constant 0 : index
    %get3A_37 = vector.load %arg9[%get3A_35, %get3A_36] : memref<2000x32xf32, #tpu.memory_space<vmem>>, vector<2000x32xf32>
    %reduce_min3A = arith.constant dense<0x7F800000> : vector<2000xf32>
    %reduce_min3A_38 = vector.multi_reduction <minimumf>, %mul3A, %reduce_min3A [1] : vector<2000x32xf32> to vector<2000xf32>
    %broadcast_in_dim3A = vector.shape_cast %reduce_min3A_38 : vector<2000xf32> to vector<2000x1xf32>
    %reduce_max3A = arith.constant dense<0xFF800000> : vector<2000xf32>
    %reduce_max3A_39 = vector.multi_reduction <maximumf>, %mul3A, %reduce_max3A [1] : vector<2000x32xf32> to vector<2000xf32>
    %broadcast_in_dim3A_40 = vector.shape_cast %reduce_max3A_39 : vector<2000xf32> to vector<2000x1xf32>
    %sub3A = arith.subf %broadcast_in_dim3A_40, %broadcast_in_dim3A : vector<2000x1xf32>
    %gt3A = arith.constant 0.000000e+00 : f32
    %gt3A_41 = vector.broadcast %gt3A : f32 to vector<2000x1xf32>
    %gt3A_42 = arith.cmpf ogt, %sub3A, %gt3A_41 : vector<2000x1xf32>
    %jit3A = arith.constant 1.000000e+00 : f32
    %broadcast_in_dim3A_43 = vector.broadcast %jit3A : f32 to vector<2000x1xf32>
    %select_n3A = arith.select %gt3A_42, %sub3A, %broadcast_in_dim3A_43 : vector<2000x1xi1>, vector<2000x1xf32>
    %sub3A_44 = vector.broadcast %broadcast_in_dim3A : vector<2000x1xf32> to vector<2000x32xf32>
    %sub3A_45 = arith.subf %mul3A, %sub3A_44 : vector<2000x32xf32>
    %mul3A_46 = arith.constant 6.400000e+01 : f32
    %mul3A_47 = vector.broadcast %mul3A_46 : f32 to vector<2000x32xf32>
    %mul3A_48 = arith.mulf %mul3A_47, %sub3A_45 : vector<2000x32xf32>
    %div3A_49 = vector.broadcast %select_n3A : vector<2000x1xf32> to vector<2000x32xf32>
    %div3A_50 = arith.divf %mul3A_48, %div3A_49 : vector<2000x32xf32>
    %floor3A = math.floor %div3A_50 : vector<2000x32xf32>
    %sub3A_51 = arith.subf %div3A_50, %floor3A : vector<2000x32xf32>
    %gt3A_52 = arith.cmpf ogt, %sub3A_51, %get3A_37 : vector<2000x32xf32>
    %convert_element_type3A_53 = arith.extui %gt3A_52 : vector<2000x32xi1> to vector<2000x32xi32>
    %convert_element_type3A_54 = arith.sitofp %convert_element_type3A_53 : vector<2000x32xi32> to vector<2000x32xf32>
    %add3A_55 = arith.addf %floor3A, %convert_element_type3A_54 : vector<2000x32xf32>
    %get3A_56 = arith.constant 0 : index
    %get3A_57 = arith.constant 0 : index
    %get3A_58 = vector.load %arg11[%get3A_56, %get3A_57] : memref<32x32xf32, #tpu.memory_space<vmem>>, vector<32x32xf32>
    %convert_element_type3A_59 = arith.truncf %add3A_55 : vector<2000x32xf32> to vector<2000x32xbf16>
    %convert_element_type3A_60 = arith.truncf %get3A_58 : vector<32x32xf32> to vector<32x32xbf16>
    %dot_general3A_61 = arith.constant dense<0.000000e+00> : vector<2000x32xf32>
    %dot_general3A_62 = tpu.matmul %convert_element_type3A_59, %convert_element_type3A_60, %dot_general3A_61 {dimension_numbers = #tpu.dot_dimension_numbers<[1], [0], [0], [1], [0, 0, 1, 1], [], []>, transpose_lhs_hint = false} : vector<2000x32xbf16>, vector<32x32xbf16>, vector<2000x32xf32> -> vector<2000x32xf32>
    %get3A_63 = arith.constant 0 : index
    %get3A_64 = arith.constant 0 : index
    %get3A_65 = vector.load %arg12[%get3A_63, %get3A_64] : memref<1x32xf32, #tpu.memory_space<vmem>>, vector<1x32xf32>
    %add3A_66 = vector.broadcast %get3A_65 : vector<1x32xf32> to vector<2000x32xf32>
    %add3A_67 = arith.addf %dot_general3A_62, %add3A_66 : vector<2000x32xf32>
    %get3A_68 = arith.constant 0 : index
    %get3A_69 = arith.constant 0 : index
    %get3A_70 = vector.load %arg10[%get3A_68, %get3A_69] : memref<2000x32xf32, #tpu.memory_space<vmem>>, vector<2000x32xf32>
    %mul3A_71 = arith.mulf %add3A_67, %get3A_70 : vector<2000x32xf32>
    %get3A_72 = arith.constant 0 : index
    %get3A_73 = arith.constant 0 : index
    %get3A_74 = vector.load %arg13[%get3A_72, %get3A_73] : memref<32x7xf32, #tpu.memory_space<vmem>>, vector<32x7xf32>
    %convert_element_type3A_75 = arith.truncf %mul3A_71 : vector<2000x32xf32> to vector<2000x32xbf16>
    %convert_element_type3A_76 = arith.truncf %get3A_74 : vector<32x7xf32> to vector<32x7xbf16>
    %dot_general3A_77 = arith.constant dense<0.000000e+00> : vector<2000x7xf32>
    %dot_general3A_78 = tpu.matmul %convert_element_type3A_75, %convert_element_type3A_76, %dot_general3A_77 {dimension_numbers = #tpu.dot_dimension_numbers<[1], [0], [0], [1], [0, 0, 1, 1], [], []>, transpose_lhs_hint = false} : vector<2000x32xbf16>, vector<32x7xbf16>, vector<2000x7xf32> -> vector<2000x7xf32>
    %get3A_79 = arith.constant 0 : index
    %get3A_80 = arith.constant 0 : index
    %get3A_81 = vector.load %arg14[%get3A_79, %get3A_80] : memref<1x7xf32, #tpu.memory_space<vmem>>, vector<1x7xf32>
    %add3A_82 = vector.broadcast %get3A_81 : vector<1x7xf32> to vector<2000x7xf32>
    %add3A_83 = arith.addf %dot_general3A_78, %add3A_82 : vector<2000x7xf32>
    %reduce_max3A_84 = arith.constant dense<0xFF800000> : vector<2000xf32>
    %reduce_max3A_85 = vector.multi_reduction <maximumf>, %add3A_83, %reduce_max3A_84 [1] : vector<2000x7xf32> to vector<2000xf32>
    %broadcast_in_dim3A_86 = vector.shape_cast %reduce_max3A_85 : vector<2000xf32> to vector<2000x1xf32>
    %sub3A_87 = vector.broadcast %broadcast_in_dim3A_86 : vector<2000x1xf32> to vector<2000x7xf32>
    %sub3A_88 = arith.subf %add3A_83, %sub3A_87 : vector<2000x7xf32>
    %exp3A = math.exp %sub3A_88 : vector<2000x7xf32>
    %reduce_sum3A = arith.constant dense<0.000000e+00> : vector<2000xf32>
    %reduce_sum3A_89 = vector.multi_reduction <add>, %exp3A, %reduce_sum3A [1] : vector<2000x7xf32> to vector<2000xf32>
    %broadcast_in_dim3A_90 = vector.shape_cast %reduce_sum3A_89 : vector<2000xf32> to vector<2000x1xf32>
    %log3A = math.log %broadcast_in_dim3A_90 : vector<2000x1xf32>
    %sub3A_91 = vector.broadcast %log3A : vector<2000x1xf32> to vector<2000x7xf32>
    %sub3A_92 = arith.subf %sub3A_88, %sub3A_91 : vector<2000x7xf32>
    %swap3A = arith.constant 0 : index
    %swap3A_93 = arith.constant 0 : index
    %swap3A_94 = vector.load %arg15[%swap3A, %swap3A_93] : memref<2000x7xf32, #tpu.memory_space<vmem>>, vector<2000x7xf32>
    tpu.vector_store %arg15[%swap3A, %swap3A_93], %sub3A_92 {strides = array<i32>} : memref<2000x7xf32, #tpu.memory_space<vmem>>, vector<2000x7xf32>,
    return
  }
  func.func @transform_0(%arg0: i32) -> (i32, i32) {
    %c0_i32 = arith.constant 0 : i32
    %c0_i32_0 = arith.constant 0 : i32
    return %arg0, %c0_i32 : i32, i32
  }
  func.func @transform_1(%arg0: i32) -> (i32, i32) {
    %c0_i32 = arith.constant 0 : i32
    %c0_i32_0 = arith.constant 0 : i32
    return %arg0, %c0_i32 : i32, i32
  }
  func.func @transform_2(%arg0: i32) -> (i32, i32) {
    %c0_i32 = arith.constant 0 : i32
    %c0_i32_0 = arith.constant 0 : i32
    return %arg0, %c0_i32 : i32, i32
  }
  func.func @transform_3(%arg0: i32) -> (i32, i32) {
    %c0_i32 = arith.constant 0 : i32
    %c0_i32_0 = arith.constant 0 : i32
    return %arg0, %c0_i32 : i32, i32
  }
  func.func @transform_4(%arg0: i32) -> (i32, i32) {
    %c0_i32 = arith.constant 0 : i32
    %c0_i32_0 = arith.constant 0 : i32
    %c0_i32_1 = arith.constant 0 : i32
    return %c0_i32, %c0_i32_0 : i32, i32
  }
  func.func @transform_5(%arg0: i32) -> (i32, i32) {
    %c0_i32 = arith.constant 0 : i32
    %c0_i32_0 = arith.constant 0 : i32
    %c0_i32_1 = arith.constant 0 : i32
    return %c0_i32, %c0_i32_0 : i32, i32
  }
  func.func @transform_6(%arg0: i32) -> (i32, i32) {
    %c0_i32 = arith.constant 0 : i32
    %c0_i32_0 = arith.constant 0 : i32
    %c0_i32_1 = arith.constant 0 : i32
    return %c0_i32, %c0_i32_0 : i32, i32
  }
  func.func @transform_7(%arg0: i32) -> (i32, i32) {
    %c0_i32 = arith.constant 0 : i32
    %c0_i32_0 = arith.constant 0 : i32
    return %arg0, %c0_i32 : i32, i32
  }
  func.func @transform_8(%arg0: i32) -> (i32, i32) {
    %c0_i32 = arith.constant 0 : i32
    %c0_i32_0 = arith.constant 0 : i32
    return %arg0, %c0_i32 : i32, i32
  }
  func.func @transform_9(%arg0: i32) -> (i32, i32) {
    %c0_i32 = arith.constant 0 : i32
    %c0_i32_0 = arith.constant 0 : i32
    return %arg0, %c0_i32 : i32, i32
  }
  func.func @transform_10(%arg0: i32) -> (i32, i32) {
    %c0_i32 = arith.constant 0 : i32
    %c0_i32_0 = arith.constant 0 : i32
    %c0_i32_1 = arith.constant 0 : i32
    return %c0_i32, %c0_i32_0 : i32, i32
  }
  func.func @transform_11(%arg0: i32) -> (i32, i32) {
    %c0_i32 = arith.constant 0 : i32
    %c0_i32_0 = arith.constant 0 : i32
    %c0_i32_1 = arith.constant 0 : i32
    return %c0_i32, %c0_i32_0 : i32, i32
  }
  func.func @transform_12(%arg0: i32) -> (i32, i32) {
    %c0_i32 = arith.constant 0 : i32
    %c0_i32_0 = arith.constant 0 : i32
    %c0_i32_1 = arith.constant 0 : i32
    return %c0_i32, %c0_i32_0 : i32, i32
  }
  func.func @transform_13(%arg0: i32) -> (i32, i32) {
    %c0_i32 = arith.constant 0 : i32
    %c0_i32_0 = arith.constant 0 : i32
    %c0_i32_1 = arith.constant 0 : i32
    return %c0_i32, %c0_i32_0 : i32, i32
  }
  func.func @transform_14(%arg0: i32) -> (i32, i32) {
    %c0_i32 = arith.constant 0 : i32
    %c0_i32_0 = arith.constant 0 : i32
    return %arg0, %c0_i32 : i32, i32
  }
}

</mosaic_0001>

<sc_bundles>
// kernel: kernel.12.cloned.1.call-start
scs
__scs_entry_jumppad:
0x0: {  	(pc) =	sbr.rel $0x88, $3  }
0x1: {  	(tag) =	ssettag $0x0;
	lr =	simm.s32 $0x1  }
0x2: {  	[smem:$0x3F95] =	sst lr;
	_ =	strace $0xD0000000  }
0x3: {  	_ = 	snop  }
0x4: {  	_ = 	snop  }
0x5: {  	_ = 	snop  }
0x6: {  	_ = 	snop  }
0x7: {  	_ = 	snop  }
__scs_overlays_trampoline_lowered:
0x8: {  	[smem:$0x3FA4] =	sst s0  }
0x9: {  	[smem:$0x3FA5] =	sst s1  }
0xa: {  	[smem:$0x3FA6] =	sst s2  }
0xb: {  	[smem:$0x3FA7] =	sst s3  }
0xc: {  	[smem:$0x3FA8] =	sst s4  }
0xd: {  	[smem:$0x3FA9] =	sst s5  }
0xe: {  	[smem:$0x3FAA] =	sst s6  }
0xf: {  	[smem:$0x3FAB] =	sst s7  }
0x10: {  	[smem:$0x3FAC] =	sst s8  }
0x11: {  	[smem:$0x3FAD] =	sst s9;
	s0 =	simm.s32 @!p0 $0x0  }
0x12: {  	s1 =	sld [smem:$0x3F93];
	s0 =	simm.s32 @p0 $0x1  }
0x13: {  	[smem:$0x3FAE] =	sst s0;
	s0 =	simm.s32 @!p1 $0x0  }
0x14: {  	s2 =	sld [smem:$0x3F92];
	s0 =	simm.s32 @p1 $0x1  }
0x15: {  	[smem:$0x3FAF] =	sst s0;
	s0 =	simm.s32 @!p2 $0x0  }
0x16: {  	s3 =	sld [smem:$0x3FDB];
	s0 =	simm.s32 @p2 $0x1  }
0x17: {  	s4 =	simm.s32 $0x1BF5;
	[smem:$0x3FB1] =	sst s0  }
0x18: {  	s0 =	sld [smem:$0x3F94];
	_ =	swait.ge [sflag:s4], $0x0  }
0x19: {  	s7 =	sld [smem:$0x3F95]  }
0x1a: {  	s8 =	sadd.s32 $0xFFFFE003, lr  }
0x1b: {  	s9 =	sadd.s32 $0xFFFFFEF7, lr;
	s5 =	simm.s32 $0xFFFFFFFF;
	p2 =	slt.u32 s8, $0xFFFFF086  }
0x1c: {  	p1 =	slt.u32 s9, $0xF7A;
	s5 =	simm.s32 @!p2 $0x0  }
0x1d: {  	s5 =	simm.s32 @p1 $0x1;
	p0 =	seq.s32 s7, s2  }
0x1e: {  	s7 =	smul.u32 @!p0 $0xF7A, s2;
	p2 =	seq.s32 @!p0 s5, $0x0  }
0x1f: {  	s9 =	smul.u32 $0xF7A, s1;
	s8 =	simm.s32 @!p0 $0x1BF5;
	p2 =	por !p2, p0  }
0x20: {  	[sflag:s8] =	ssyncset.s32 @!p0 $0xFFFFF086;
	s6 =	sadd.s32 @!p0 s3, s7;
	s7 =	simm.s32 @!p0 $0x108  }
0x21: {  	s3 =	sadd.s32 s3, s9;
	s6 =	sadd.s32 @!p0 $0x88, s6;
	s7 =	simm.s32 @p2 $0x1082  }
0x22: {  	[simem:s7], [sflag:s8] =	dma.local @!p0 [hbm:s6], $0xF7A  }
0x23: {  	s9 =	sor.u32 $0xD0000000, s2;
	s6 =	simm.s32 $0x108;
	_ =	swait.ge @!p0 [sflag:s8], $0x0  }
0x24: {  	s3 =	sadd.s32 $0x88, s3;
	s6 =	simm.s32 @!p1 $0x1082;
	[sflag:s4] =	ssyncset.s32 $0xFFFFF086  }
0x25: {  	[simem:s6], [sflag:s4] =	dma.local [hbm:s3], $0xF7A  }
0x26: {  	[smem:$0x3F95] =	sst s1;
	(tag) =	ssettag s2;
	_ =	strace s9  }
0x27: {  	s1 =	sld [smem:$0x3FA5]  }
0x28: {  	s2 =	sld [smem:$0x3FA6]  }
0x29: {  	s4 =	sld [smem:$0x3FA8]  }
0x2a: {  	p0 =	seq.s32 s5, $0x0;
	s5 =	sld [smem:$0x3FA9]  }
0x2b: {  	s6 =	sld [smem:$0x3FAA]  }
0x2c: {  	s7 =	sld [smem:$0x3FAB]  }
0x2d: {  	s3 =	simm.s32 $0x108;
	s8 =	sld [smem:$0x3FAC]  }
0x2e: {  	s3 =	simm.s32 @!p0 $0x1082;
	s9 =	sld [smem:$0x3FAD]  }
0x2f: {  	lr =	sadd.s32 s0, s3;
	s0 =	sld [smem:$0x3FA4]  }
0x30: {  	s3 =	sld [smem:$0x3FA7]  }
0x31: {  	[smem:$0x3FB0] =	sst s10  }
0x32: {  	s10 =	sld [smem:$0x3FAE];
	_ =	sdelay $0x3  }
0x33: {  	p0 =	seq.s32 s10, $0x1;
	s10 =	sld [smem:$0x3FB0];
	_ =	sdelay $0x3  }
0x34: {  	[smem:$0x3FB0] =	sst s10  }
0x35: {  	s10 =	sld [smem:$0x3FAF];
	_ =	sdelay $0x3  }
0x36: {  	p1 =	seq.s32 s10, $0x1;
	s10 =	sld [smem:$0x3FB0];
	_ =	sdelay $0x3  }
0x37: {  	[smem:$0x3FB0] =	sst s10  }
0x38: {  	s10 =	sld [smem:$0x3FB1]  }
0x39: {  	_ = 	snop;
	(pc) =	sbr.ind lr, $3  }
0x3a: {  	_ = 	snop  }
0x3b: {  	_ = 	snop  }
0x3c: {  	p2 =	seq.s32 s10, $0x1;
	s10 =	sld [smem:$0x3FB0]  }
0x3d: {  	_ =	shalt  }
0x3e: {  	_ =	shalt  }
0x3f: {  	_ =	shalt  }
0x40: {  	_ =	shalt  }
0x41: {  	_ =	shalt  }
0x42: {  	_ =	shalt  }
0x43: {  	_ =	shalt  }
0x44: {  	_ =	shalt  }
0x45: {  	_ =	shalt  }
0x46: {  	_ =	shalt  }
0x47: {  	_ =	shalt  }
0x48: {  	_ =	shalt  }
0x49: {  	_ =	shalt  }
0x4a: {  	_ =	shalt  }
0x4b: {  	_ =	shalt  }
0x4c: {  	_ =	shalt  }
0x4d: {  	_ =	shalt  }
0x4e: {  	_ =	shalt  }
0x4f: {  	_ =	shalt  }
0x50: {  	_ =	shalt  }
0x51: {  	_ =	shalt  }
0x52: {  	_ =	shalt  }
0x53: {  	_ =	shalt  }
0x54: {  	_ =	shalt  }
0x55: {  	_ =	shalt  }
0x56: {  	_ =	shalt  }
0x57: {  	_ =	shalt  }
0x58: {  	_ =	shalt  }
0x59: {  	_ =	shalt  }
0x5a: {  	_ =	shalt  }
0x5b: {  	_ =	shalt  }
0x5c: {  	_ =	shalt  }
0x5d: {  	_ =	shalt  }
0x5e: {  	_ =	shalt  }
0x5f: {  	_ =	shalt  }
0x60: {  	_ =	shalt  }
0x61: {  	_ =	shalt  }
0x62: {  	_ =	shalt  }
0x63: {  	_ =	shalt  }
0x64: {  	_ =	shalt  }
0x65: {  	_ =	shalt  }
0x66: {  	_ =	shalt  }
0x67: {  	_ =	shalt  }
0x68: {  	_ =	shalt  }
0x69: {  	_ =	shalt  }
0x6a: {  	_ =	shalt  }
0x6b: {  	_ =	shalt  }
0x6c: {  	_ =	shalt  }
0x6d: {  	_ =	shalt  }
0x6e: {  	_ =	shalt  }
0x6f: {  	_ =	shalt  }
0x70: {  	_ =	shalt  }
0x71: {  	_ =	shalt  }
0x72: {  	_ =	shalt  }
0x73: {  	_ =	shalt  }
0x74: {  	_ =	shalt  }
0x75: {  	_ =	shalt  }
0x76: {  	_ =	shalt  }
0x77: {  	_ =	shalt  }
0x78: {  	_ =	shalt  }
0x79: {  	_ =	shalt  }
0x7a: {  	_ =	shalt  }
0x7b: {  	_ =	shalt  }
0x7c: {  	_ =	shalt  }
0x7d: {  	_ =	shalt  }
0x7e: {  	_ =	shalt  }
0x7f: {  	_ =	shalt  }
0x80: {  	_ =	shalt  }
0x81: {  	_ =	shalt  }
0x82: {  	_ =	shalt  }
0x83: {  	_ =	shalt  }
0x84: {  	_ =	shalt  }
0x85: {  	_ =	shalt  }
0x86: {  	_ =	shalt  }
0x87: {  	_ =	shalt  }
.Lfunc_end0:
.L_simem_size_0:
called_computation.1_lowered:
.L_overlay_start_0:
0x88: {  	s2 =	sld [smem:$0x3FD9]  }
0x89: {  	s3 =	sld [smem:$0x3FFE];
	_ =	sdelay $0x1  }
0x8a: {  	s1 =	srdreg.scid  }
0x8b: {  	s0 =	sand.u32 $0x1, s1  }
0x8c: {  	s17 =	sshll.u32 s0, $0xA;
	s2 =	sadd.s32 s3, s2  }
0x8d: {  	s2 =	sadd.s32 s2, s17  }
0x8e: {  	[smem:$0x3FBC] =	sst s2  }
0x8f: {  	_ = 	snop  }
0x90: {  	s2 =	sld [smem:$0x3FD0];
	(tm) =	ssettm $0x1  }
0x91: {  	s18 =	sld [smem:$0x3FFB];
	_ =	sdelay $0x3  }
0x92: {  	_ =	strace s18  }
0x93: {  	s3 =	sld [smem:$0x3FFC];
	_ =	sdelay $0x3  }
0x94: {  	_ =	strace s3  }
0x95: {  	s3 =	sld [smem:$0x3FFD];
	_ =	sdelay $0x3  }
0x96: {  	_ =	strace s3  }
0x97: {  	_ =	strace $0x8FFFFFFF  }
0x98: {  	s19 =	sld [smem:$0x3FDB];
	_ =	sdelay $0x1  }
0x99: {  	s4 =	simm.s32 $_scs_section_size  }
0x9a: {  	s5 =	simm.s32 $_size__tile_overlayer_lowered;
	s6 =	simm.s32 $_tile_overlayer_lowered  }
0x9b: {  	s22 =	simm.s32 $0x1BFF;
	s21 =	sshll.u32 s6, $0x1;
	s3 =	sadd.s32 s4, s19  }
0x9c: {  	s7 =	simm.s32 $0x0;
	s20 =	sshll.u32 s5, $0x1;
	s5 =	sadd.s32 s21, s3  }
0x9d: {  	[timem:s7], [sflag:s22] =	dma.local [hbm:s5], s20  }
0x9e: {  	_ =	swait.ge [sflag:s22], s20  }
0x9f: {  	s4 =	ssub.s32 $0x0, s20;
	[sflag:s22] =	ssyncset.done $0x0  }
0xa0: {  	[sflag:s22] =	ssyncadd.s32 s4;
	_ =	sdelay $0x1  }
0xa1: {  	s23 =	simm.s32 $0x1B8B  }
0xa2: {  	_ =	swait.ge [sflag:s23], $0x1  }
0xa3: {  	[sflag:s23] =	ssyncset.done $0x0  }
0xa4: {  	s25 =	simm.s32 $0x1B8E;
	s24 =	sld [smem:$0x3FFE];
	[sflag:s23] =	ssyncadd.s32 $0xFFFFFFFF  }
0xa5: {  	s26 =	simm.s32 $execute0_lowered;
	[smem:$0x3FD2] =	sst s25  }
0xa6: {  	s5 =	sshll.u32 s26, $0x1;
	_ =	strace $0x80000049;
	[dreg:$0x1] =	wrdreg $0xFFFFFFFF  }
0xa7: {  	s28 =	simm.s32 $_size_execute0_lowered;
	s3 =	sadd.s32 s3, s5;
	[dreg:$0x0] =	wrdreg $0x0  }
0xa8: {  	s5 =	sshll.u32 s28, $0x1;
	[dreg:$0x2] =	wrdreg s3  }
0xa9: {  	[dreg:$0x3] =	wrdreg s5  }
0xaa: {  	[dreg:$0x4] =	wrdreg $0xC0  }
0xab: {  	_ =	task [dreg:s7], $0x5FFFF  }
0xac: {  	[dreg:$0x1] =	wrdreg $0xFFFFFFFF  }
0xad: {  	[dreg:$0x0] =	wrdreg $0x60  }
0xae: {  	[dreg:$0x2] =	wrdreg s24  }
0xaf: {  	[dreg:$0x3] =	wrdreg s2  }
0xb0: {  	[dreg:$0x4] =	wrdreg $0x48000  }
0xb1: {  	[dreg:$0x5] =	wrdreg $0x9  }
0xb2: {  	_ =	task.clear_ibuf [dreg:s7], $0x6FFFF;
	_ =	strace $0x90000049  }
0xb3: {  	s29 =	simm.s32 $0x9;
	_ =	strace $0x8000004B  }
0xb4: {  	_ =	swait.ge [sflag:s29], $0x1  }
0xb5: {  	[sflag:s29] =	ssyncadd.s32 $0xFFFFFFFF  }
0xb6: {  	_ =	strace $0x9000004B  }
0xb7: {  	_ =	sfence  }
0xb8: {  	s30 =	sld [smem:$0x0];
	_ =	sdelay $0x2  }
0xb9: {  	s31 =	sshll.u32 s1, $0xD;
	s1 =	sshrl.u32 s1, $0x2  }
0xba: {  	s3 =	sand.u32 $0x4000, s31;
	s1 =	sadd.s32 s1, s30  }
0xbb: {  	s0 =	sor.u32 s3, s0;
	s1 =	sshll.u32 s1, $0x11  }
0xbc: {  	s0 =	sor.u32 s1, s0  }
0xbd: {  	s0 =	sadd.s32 $0x8F2B, s0  }
0xbe: {  	[sflag:s0] =	ssyncadd.remote.s32 $0x1  }
0xbf: {  	_ =	sfence.sel $0xFFFF  }
0xc0: {  	[dreg:$0x0] =	wrdreg $0xFFFFFFFF;
	(pc) =	sbr.abs _section_cstart, $3  }
0xc1: {  	[dreg:$0x1] =	wrdreg $0xFFFFFFFF  }
0xc2: {  	_ =	task.clear_ibuf [dreg:s7], $0x2FFFF;
	_ =	strace $0x9FFFFFFF  }
0xc3: {  	(tm) =	ssettm $0x7FFFFFFF  }
tec
execute0_lowered:
.L_overlay_start_1:
0x0: {  	(tag) =	ssettag $0x1  }
0x1: {  	s6 =	rddreg [dreg:$0x0]  }
0x2: {  	s0 =	srdreg.scid;
	s2 =	rddreg [dreg:$0x1]  }
0x3: {  	s3 =	rddreg [dreg:$0x2];
	s4 =	simm.s32 $0x0;
	s14 =	simm.s32 $0x80  }
0x4: {  	s15 =	simm.s32 $0x2800;
	s16 =	simm.s32 $0x3800;
	s17 =	simm.s32 $0x1  }
0x5: {  	s18 =	simm.s32 $0x2;
	s7 =	sand.u32 $0x1, s0;
	s0 =	stileid.u32  }
0x6: {  	s19 =	simm.s32 $0x2700;
	s20 =	simm.s32 $0x2780;
	s9 =	smul.u32 $0x9E0, s0  }
0x7: {  	s21 =	simm.s32 $0x0;
	[smem:$0x7FF] =	sst s4;
	s10 =	smul.u32 $0x9E00, s7  }
0x8: {  	s1 =	sshll.u32 s7, $0x4;
	s7 =	ssub.s32 $0x2, s7;
	s11 =	smul.u32 $0x13C00, s0  }
0x9: {  	s12 =	sshll.u32 s0, $0x6;
	s5 =	sor.u32 s0, s1;
	s1 =	rddreg [dreg:$0x3]  }
0xa: {  	_ =	strace $0x8000004A;
	s31 =	sshrl.u32 s7, $0x1;
	s12 =	sor.u32 $0x1C03, s12  }
0xb: {  	s8 =	smul.u32 $0x280, s5;
	s5 =	sadd.s32 $0x28600, s6;
	s9 =	sadd.s32 s9, s10  }
0xc: {  	s10 =	ssub.s32 s7, s31;
	s11 =	sshrl.u32 s11, $0x2;
	s9 =	sadd.s32 s9, s6  }
0xd: {  	s13 =	sadd.s32 s11, s3;
	s11 =	simm.s32 $0x1400;
	s8 =	sadd.s32 s8, s6  }
0xe: {  	s13 =	sshrl.u32 s13, $0x3;
	s6 =	sadd.s32 $0x37400, s8;
	s7 =	sadd.s32 $0x3C400, s8  }
0xf: {  	s8 =	sadd.s32 $0x41400, s9;
	s9 =	smax.u32 s10, $0x1;
	s10 =	simm.s32 $0x3  }
.LBB2_1:
0x10: {  	[tilespmem:s4], [sflag:$0x3] =	stream.linear.gather [hbm4b:s6+s4], $0x1400, $0x38;
	[tilespmem:$0x9700] =	vst v63  }
0x11: {  	_ =	swait.ge [sflag:s10], $0x1400  }
0x12: {  	[sflag:s10] =	ssyncset.done $0x0  }
0x13: {  	[sflag:s10] =	ssyncadd.s32 $0xFFFFEC00  }
0x14: {  	[tilespmem:s11], [sflag:$0x3] =	stream.linear.gather [hbm4b:s7+s4], $0x1400, $0x38;
	[tilespmem:$0x9700] =	vst v63  }
0x15: {  	_ =	swait.ge [sflag:s10], $0x1400  }
0x16: {  	[sflag:s10] =	ssyncset.done $0x0  }
0x17: {  	[sflag:s10] =	ssyncadd.s32 $0xFFFFEC00  }
0x18: {  	[spmem:s13], [sflag:s12] =	dma.local [hbm:s2], $0x9E0  }
0x19: {  	_ =	swait.ge [sflag:s10], $0x9E0  }
0x1a: {  	[sflag:s10] =	ssyncset.done $0x0  }
0x1b: {  	[sflag:s10] =	ssyncadd.s32 $0xFFFFF620  }
0x1c: {  	[bflag:$0x0] =	sbarrier.arrive $0xFFFF  }
0x1d: {  	[tilespmem:s15], [sflag:$0x1] =	stream.indirect.gather [hbm4b:s5+s14], $0x20, s4, s14, $0xb8;
	[tilespmem:$0x9700] =	vst v63  }
0x1e: {  	_ = 	snop  }
0x1f: {  	[tilespmem:s16], [sflag:$0x2] =	stream.indirect.gather [hbm4b:s5+s14], $0x20, s14, s14, $0xb8;
	[tilespmem:$0x9700] =	vst v63  }
0x20: {  	_ =	swait.ge [sflag:s17], $0x1000  }
0x21: {  	[sflag:s17] =	ssyncset.done $0x0  }
0x22: {  	s22 =	simm.s32 $0x1400;
	[sflag:s17] =	ssyncadd.s32 $0xFFFFF000  }
0x23: {  	[spmem:s3] =	stream.indirect.scatter.add.f32 [tilespmem:s15], [sflag:$0x3], $0x20, s22, s14, $0xb8;
	[tilespmem:$0x9700] =	vst v63  }
0x24: {  	_ =	swait.ge [sflag:s10], $0x1000  }
0x25: {  	[sflag:s10] =	ssyncset.done $0x0  }
0x26: {  	s30 =	simm.s32 $0x100;
	[sflag:s10] =	ssyncadd.s32 $0xFFFFF000  }
0x27: {  	[tilespmem:s15], [sflag:$0x1] =	stream.indirect.gather [hbm4b:s5+s14], $0x20, s30, s14, $0xb8;
	[tilespmem:$0x9700] =	vst v63  }
0x28: {  	_ =	swait.ge [sflag:s18], $0x1000  }
0x29: {  	[sflag:s18] =	ssyncset.done $0x0  }
0x2a: {  	s31 =	simm.s32 $0x1480;
	[sflag:s18] =	ssyncadd.s32 $0xFFFFF000  }
0x2b: {  	[spmem:s3] =	stream.indirect.scatter.add.f32 [tilespmem:s16], [sflag:$0x3], $0x20, s31, s14, $0xb8;
	[tilespmem:$0x9700] =	vst v63  }
0x2c: {  	_ =	swait.ge [sflag:s10], $0x1000  }
0x2d: {  	[sflag:s10] =	ssyncset.done $0x0  }
0x2e: {  	s23 =	simm.s32 $0x180;
	s22 =	simm.s32 $0x400;
	[sflag:s10] =	ssyncadd.s32 $0xFFFFF000  }
.LBB2_2:
0x2f: {  	[tilespmem:s16], [sflag:$0x2] =	stream.indirect.gather [hbm4b:s5+s14], $0x20, s23, s14, $0xb8;
	[tilespmem:$0x9700] =	vst v63  }
0x30: {  	s23 =	smov.u32 s22  }
0x31: {  	p0 =	sne.s32 s22, $0x4800;
	s22 =	sadd.s32 $0x400, s22;
	_ =	swait.ge [sflag:s17], $0x1000  }
0x32: {  	s23 =	sshra.s32 s23, $0x2;
	[sflag:s17] =	ssyncset.done $0x0  }
0x33: {  	s24 =	sadd.s32 $0x1400, s23;
	[sflag:s17] =	ssyncadd.s32 $0xFFFFF000  }
0x34: {  	[spmem:s3] =	stream.indirect.scatter.add.f32 [tilespmem:s15], [sflag:$0x3], $0x20, s24, s14, $0xb8;
	[tilespmem:$0x9700] =	vst v63  }
0x35: {  	_ =	swait.ge [sflag:s10], $0x1000  }
0x36: {  	[sflag:s10] =	ssyncset.done $0x0  }
0x37: {  	s24 =	sadd.s32 $0x100, s23;
	[sflag:s10] =	ssyncadd.s32 $0xFFFFF000  }
0x38: {  	[tilespmem:s15], [sflag:$0x1] =	stream.indirect.gather [hbm4b:s5+s14], $0x20, s24, s14, $0xb8;
	[tilespmem:$0x9700] =	vst v63  }
0x39: {  	_ =	swait.ge [sflag:s18], $0x1000  }
0x3a: {  	[sflag:s18] =	ssyncset.done $0x0  }
.Ltmp0:
0x3b: {  	s24 =	sadd.s32 $0x1480, s23;
	[sflag:s18] =	ssyncadd.s32 $0xFFFFF000;
	(pc) =	sbr.rel @p0 .LBB2_2-.Ltmp0, $4  }
0x3c: {  	[spmem:s3] =	stream.indirect.scatter.add.f32 [tilespmem:s16], [sflag:$0x3], $0x20, s24, s14, $0xb8;
	[tilespmem:$0x9700] =	vst v63  }
0x3d: {  	_ =	swait.ge [sflag:s10], $0x1000  }
0x3e: {  	[sflag:s10] =	ssyncset.done $0x0  }
0x3f: {  	s23 =	sadd.s32 $0x180, s23;
	[sflag:s10] =	ssyncadd.s32 $0xFFFFF000  }
0x40: {  	[tilespmem:s16], [sflag:$0x2] =	stream.indirect.gather [hbm4b:s5+s14], $0x20, s23, s14, $0xb8;
	[tilespmem:$0x9700] =	vst v63  }
0x41: {  	_ =	swait.ge [sflag:s17], $0x1000  }
0x42: {  	[sflag:s17] =	ssyncset.done $0x0  }
0x43: {  	[sflag:s17] =	ssyncadd.s32 $0xFFFFF000  }
0x44: {  	[spmem:s3] =	stream.indirect.scatter.add.f32 [tilespmem:s15], [sflag:$0x3], $0x20, s19, s14, $0xb8;
	[tilespmem:$0x9700] =	vst v63  }
0x45: {  	_ =	swait.ge [sflag:s10], $0x1000  }
0x46: {  	[sflag:s10] =	ssyncset.done $0x0  }
0x47: {  	[sflag:s10] =	ssyncadd.s32 $0xFFFFF000  }
0x48: {  	_ =	swait.ge [sflag:s18], $0x1000  }
0x49: {  	[sflag:s18] =	ssyncset.done $0x0  }
0x4a: {  	[sflag:s18] =	ssyncadd.s32 $0xFFFFF000  }
0x4b: {  	[spmem:s3] =	stream.indirect.scatter.add.f32 [tilespmem:s16], [sflag:$0x3], $0x20, s20, s14, $0xb8;
	[tilespmem:$0x9700] =	vst v63  }
0x4c: {  	_ =	swait.ge [sflag:s10], $0x1000  }
0x4d: {  	s21 =	sadd.s32 $0x1, s21;
	[sflag:s10] =	ssyncset.done $0x0  }
0x4e: {  	p0 =	sne.s32 s21, s9;
	[sflag:s10] =	ssyncadd.s32 $0xFFFFF000  }
.Ltmp1:
0x4f: {  	[bflag:$0x0] =	sbarrier.arrive $0xFFFF;
	(pc) =	sbr.rel @p0 .LBB2_1-.Ltmp1, $4  }
0x50: {  	[hbm:s8], [sflag:s12] =	dma.local [spmem:s13], $0x9E0  }
0x51: {  	_ =	swait.ge [sflag:s10], $0x9E0  }
0x52: {  	[sflag:s10] =	ssyncset.done $0x0  }
0x53: {  	[sflag:s10] =	ssyncadd.s32 $0xFFFFF620  }
0x54: {  	_ =	sfence.sel $0x180000  }
0x55: {  	[bflag:$0x0] =	sbarrier.arrive $0xFFFF  }
0x56: {  	p0 =	sne.s32 s0, $0x0;
	_ =	strace $0x9000004A  }
0x57: {  	s0 =	sadd.s32 @!p0 $0x100000, s1;
	[bflag:$0x2] =	sbarrier.arrive $0xFFFF  }
0x58: {  	[sflag:s0] =	ssyncadd.tile.s32 @!p0 $0x1;
	_ =	shalt  }
.Lfunc_end2:
_tile_overlayer_lowered:
.L_overlay_start_2:
0x59: {  	(tag) =	ssettag $0x2  }
0x5a: {  	s0 =	rddreg [dreg:$0x0];
	s2 =	stileid.u32  }
0x5b: {  	s1 =	rddreg [dreg:$0x1];
	p0 =	sne.s32 s2, $0x0  }
0x5c: {  	s3 =	rddreg [dreg:$0x2];
	[bflag:$0x3] =	sbarrier.arrive $0xFFFF;
	s2 =	simm.s32 @!p0 $0x1C03  }
0x5d: {  	[timem:s3], [sflag:s2] =	dma.local @!p0 [hbm:s0], s1  }
0x5e: {  	s0 =	simm.s32 @!p0 $0x3  }
0x5f: {  	_ =	swait.ge @!p0 [sflag:s0], s1  }
0x60: {  	s1 =	ssub.s32 @!p0 $0x0, s1;
	[sflag:s0] =	ssyncset.done @!p0 $0x0  }
0x61: {  	[sflag:s0] =	ssyncadd.s32 @!p0 s1  }
0x62: {  	[bflag:$0x3] =	sbarrier.arrive $0xFFFF  }
0x63: {  	_ =	shalt  }

// kernel: kernel.9.cloned.1.call-start
scs
__scs_entry_jumppad:
0x0: {  	(pc) =	sbr.rel $0x88, $3  }
0x1: {  	(tag) =	ssettag $0x0;
	lr =	simm.s32 $0x1  }
0x2: {  	[smem:$0x3F95] =	sst lr;
	_ =	strace $0xD0000000  }
0x3: {  	_ = 	snop  }
0x4: {  	_ = 	snop  }
0x5: {  	_ = 	snop  }
0x6: {  	_ = 	snop  }
0x7: {  	_ = 	snop  }
__scs_overlays_trampoline_lowered:
0x8: {  	[smem:$0x3FA4] =	sst s0  }
0x9: {  	[smem:$0x3FA5] =	sst s1  }
0xa: {  	[smem:$0x3FA6] =	sst s2  }
0xb: {  	[smem:$0x3FA7] =	sst s3  }
0xc: {  	[smem:$0x3FA8] =	sst s4  }
0xd: {  	[smem:$0x3FA9] =	sst s5  }
0xe: {  	[smem:$0x3FAA] =	sst s6  }
0xf: {  	[smem:$0x3FAB] =	sst s7  }
0x10: {  	[smem:$0x3FAC] =	sst s8  }
0x11: {  	[smem:$0x3FAD] =	sst s9;
	s0 =	simm.s32 @!p0 $0x0  }
0x12: {  	s1 =	sld [smem:$0x3F93];
	s0 =	simm.s32 @p0 $0x1  }
0x13: {  	[smem:$0x3FAE] =	sst s0;
	s0 =	simm.s32 @!p1 $0x0  }
0x14: {  	s2 =	sld [smem:$0x3F92];
	s0 =	simm.s32 @p1 $0x1  }
0x15: {  	[smem:$0x3FAF] =	sst s0;
	s0 =	simm.s32 @!p2 $0x0  }
0x16: {  	s3 =	sld [smem:$0x3FDB];
	s0 =	simm.s32 @p2 $0x1  }
0x17: {  	s4 =	simm.s32 $0x1BF5;
	[smem:$0x3FB1] =	sst s0  }
0x18: {  	s0 =	sld [smem:$0x3F94];
	_ =	swait.ge [sflag:s4], $0x0  }
0x19: {  	s7 =	sld [smem:$0x3F95]  }
0x1a: {  	s8 =	sadd.s32 $0xFFFFE003, lr  }
0x1b: {  	s9 =	sadd.s32 $0xFFFFFEF7, lr;
	s5 =	simm.s32 $0xFFFFFFFF;
	p2 =	slt.u32 s8, $0xFFFFF086  }
0x1c: {  	p1 =	slt.u32 s9, $0xF7A;
	s5 =	simm.s32 @!p2 $0x0  }
0x1d: {  	s5 =	simm.s32 @p1 $0x1;
	p0 =	seq.s32 s7, s2  }
0x1e: {  	s7 =	smul.u32 @!p0 $0xF7A, s2;
	p2 =	seq.s32 @!p0 s5, $0x0  }
0x1f: {  	s9 =	smul.u32 $0xF7A, s1;
	s8 =	simm.s32 @!p0 $0x1BF5;
	p2 =	por !p2, p0  }
0x20: {  	[sflag:s8] =	ssyncset.s32 @!p0 $0xFFFFF086;
	s6 =	sadd.s32 @!p0 s3, s7;
	s7 =	simm.s32 @!p0 $0x108  }
0x21: {  	s3 =	sadd.s32 s3, s9;
	s6 =	sadd.s32 @!p0 $0x88, s6;
	s7 =	simm.s32 @p2 $0x1082  }
0x22: {  	[simem:s7], [sflag:s8] =	dma.local @!p0 [hbm:s6], $0xF7A  }
0x23: {  	s9 =	sor.u32 $0xD0000000, s2;
	s6 =	simm.s32 $0x108;
	_ =	swait.ge @!p0 [sflag:s8], $0x0  }
0x24: {  	s3 =	sadd.s32 $0x88, s3;
	s6 =	simm.s32 @!p1 $0x1082;
	[sflag:s4] =	ssyncset.s32 $0xFFFFF086  }
0x25: {  	[simem:s6], [sflag:s4] =	dma.local [hbm:s3], $0xF7A  }
0x26: {  	[smem:$0x3F95] =	sst s1;
	(tag) =	ssettag s2;
	_ =	strace s9  }
0x27: {  	s1 =	sld [smem:$0x3FA5]  }
0x28: {  	s2 =	sld [smem:$0x3FA6]  }
0x29: {  	s4 =	sld [smem:$0x3FA8]  }
0x2a: {  	p0 =	seq.s32 s5, $0x0;
	s5 =	sld [smem:$0x3FA9]  }
0x2b: {  	s6 =	sld [smem:$0x3FAA]  }
0x2c: {  	s7 =	sld [smem:$0x3FAB]  }
0x2d: {  	s3 =	simm.s32 $0x108;
	s8 =	sld [smem:$0x3FAC]  }
0x2e: {  	s3 =	simm.s32 @!p0 $0x1082;
	s9 =	sld [smem:$0x3FAD]  }
0x2f: {  	lr =	sadd.s32 s0, s3;
	s0 =	sld [smem:$0x3FA4]  }
0x30: {  	s3 =	sld [smem:$0x3FA7]  }
0x31: {  	[smem:$0x3FB0] =	sst s10  }
0x32: {  	s10 =	sld [smem:$0x3FAE];
	_ =	sdelay $0x3  }
0x33: {  	p0 =	seq.s32 s10, $0x1;
	s10 =	sld [smem:$0x3FB0];
	_ =	sdelay $0x3  }
0x34: {  	[smem:$0x3FB0] =	sst s10  }
0x35: {  	s10 =	sld [smem:$0x3FAF];
	_ =	sdelay $0x3  }
0x36: {  	p1 =	seq.s32 s10, $0x1;
	s10 =	sld [smem:$0x3FB0];
	_ =	sdelay $0x3  }
0x37: {  	[smem:$0x3FB0] =	sst s10  }
0x38: {  	s10 =	sld [smem:$0x3FB1]  }
0x39: {  	_ = 	snop;
	(pc) =	sbr.ind lr, $3  }
0x3a: {  	_ = 	snop  }
0x3b: {  	_ = 	snop  }
0x3c: {  	p2 =	seq.s32 s10, $0x1;
	s10 =	sld [smem:$0x3FB0]  }
0x3d: {  	_ =	shalt  }
0x3e: {  	_ =	shalt  }
0x3f: {  	_ =	shalt  }
0x40: {  	_ =	shalt  }
0x41: {  	_ =	shalt  }
0x42: {  	_ =	shalt  }
0x43: {  	_ =	shalt  }
0x44: {  	_ =	shalt  }
0x45: {  	_ =	shalt  }
0x46: {  	_ =	shalt  }
0x47: {  	_ =	shalt  }
0x48: {  	_ =	shalt  }
0x49: {  	_ =	shalt  }
0x4a: {  	_ =	shalt  }
0x4b: {  	_ =	shalt  }
0x4c: {  	_ =	shalt  }
0x4d: {  	_ =	shalt  }
0x4e: {  	_ =	shalt  }
0x4f: {  	_ =	shalt  }
0x50: {  	_ =	shalt  }
0x51: {  	_ =	shalt  }
0x52: {  	_ =	shalt  }
0x53: {  	_ =	shalt  }
0x54: {  	_ =	shalt  }
0x55: {  	_ =	shalt  }
0x56: {  	_ =	shalt  }
0x57: {  	_ =	shalt  }
0x58: {  	_ =	shalt  }
0x59: {  	_ =	shalt  }
0x5a: {  	_ =	shalt  }
0x5b: {  	_ =	shalt  }
0x5c: {  	_ =	shalt  }
0x5d: {  	_ =	shalt  }
0x5e: {  	_ =	shalt  }
0x5f: {  	_ =	shalt  }
0x60: {  	_ =	shalt  }
0x61: {  	_ =	shalt  }
0x62: {  	_ =	shalt  }
0x63: {  	_ =	shalt  }
0x64: {  	_ =	shalt  }
0x65: {  	_ =	shalt  }
0x66: {  	_ =	shalt  }
0x67: {  	_ =	shalt  }
0x68: {  	_ =	shalt  }
0x69: {  	_ =	shalt  }
0x6a: {  	_ =	shalt  }
0x6b: {  	_ =	shalt  }
0x6c: {  	_ =	shalt  }
0x6d: {  	_ =	shalt  }
0x6e: {  	_ =	shalt  }
0x6f: {  	_ =	shalt  }
0x70: {  	_ =	shalt  }
0x71: {  	_ =	shalt  }
0x72: {  	_ =	shalt  }
0x73: {  	_ =	shalt  }
0x74: {  	_ =	shalt  }
0x75: {  	_ =	shalt  }
0x76: {  	_ =	shalt  }
0x77: {  	_ =	shalt  }
0x78: {  	_ =	shalt  }
0x79: {  	_ =	shalt  }
0x7a: {  	_ =	shalt  }
0x7b: {  	_ =	shalt  }
0x7c: {  	_ =	shalt  }
0x7d: {  	_ =	shalt  }
0x7e: {  	_ =	shalt  }
0x7f: {  	_ =	shalt  }
0x80: {  	_ =	shalt  }
0x81: {  	_ =	shalt  }
0x82: {  	_ =	shalt  }
0x83: {  	_ =	shalt  }
0x84: {  	_ =	shalt  }
0x85: {  	_ =	shalt  }
0x86: {  	_ =	shalt  }
0x87: {  	_ =	shalt  }
.Lfunc_end0:
.L_simem_size_0:
called_computation_lowered:
.L_overlay_start_0:
0x88: {  	s2 =	sld [smem:$0x3FD9]  }
0x89: {  	s3 =	sld [smem:$0x3FFE];
	_ =	sdelay $0x1  }
0x8a: {  	s1 =	srdreg.scid  }
0x8b: {  	s0 =	sand.u32 $0x1, s1  }
0x8c: {  	s17 =	sshll.u32 s0, $0xA;
	s2 =	sadd.s32 s3, s2  }
0x8d: {  	s2 =	sadd.s32 s2, s17  }
0x8e: {  	[smem:$0x3FBC] =	sst s2  }
0x8f: {  	_ = 	snop  }
0x90: {  	s2 =	sld [smem:$0x3FD0];
	(tm) =	ssettm $0x1  }
0x91: {  	s18 =	sld [smem:$0x3FFB];
	_ =	sdelay $0x3  }
0x92: {  	_ =	strace s18  }
0x93: {  	s3 =	sld [smem:$0x3FFC];
	_ =	sdelay $0x3  }
0x94: {  	_ =	strace s3  }
0x95: {  	s3 =	sld [smem:$0x3FFD];
	_ =	sdelay $0x3  }
0x96: {  	_ =	strace s3  }
0x97: {  	_ =	strace $0x8FFFFFFF  }
0x98: {  	s19 =	sld [smem:$0x3FDB];
	_ =	sdelay $0x1  }
0x99: {  	s4 =	simm.s32 $_scs_section_size  }
0x9a: {  	s5 =	simm.s32 $_size__tile_overlayer_lowered;
	s6 =	simm.s32 $_tile_overlayer_lowered  }
0x9b: {  	s22 =	simm.s32 $0x1BFF;
	s21 =	sshll.u32 s6, $0x1;
	s3 =	sadd.s32 s4, s19  }
0x9c: {  	s7 =	simm.s32 $0x0;
	s20 =	sshll.u32 s5, $0x1;
	s5 =	sadd.s32 s21, s3  }
0x9d: {  	[timem:s7], [sflag:s22] =	dma.local [hbm:s5], s20  }
0x9e: {  	_ =	swait.ge [sflag:s22], s20  }
0x9f: {  	s4 =	ssub.s32 $0x0, s20;
	[sflag:s22] =	ssyncset.done $0x0  }
0xa0: {  	[sflag:s22] =	ssyncadd.s32 s4;
	_ =	sdelay $0x1  }
0xa1: {  	s23 =	simm.s32 $0x1B8B  }
0xa2: {  	_ =	swait.ge [sflag:s23], $0x1  }
0xa3: {  	[sflag:s23] =	ssyncset.done $0x0  }
0xa4: {  	s25 =	simm.s32 $0x1B8E;
	s24 =	sld [smem:$0x3FFE];
	[sflag:s23] =	ssyncadd.s32 $0xFFFFFFFF  }
0xa5: {  	s26 =	simm.s32 $execute0_lowered;
	[smem:$0x3FD2] =	sst s25  }
0xa6: {  	s5 =	sshll.u32 s26, $0x1;
	_ =	strace $0x80000046;
	[dreg:$0x1] =	wrdreg $0xFFFFFFFF  }
0xa7: {  	s28 =	simm.s32 $_size_execute0_lowered;
	s3 =	sadd.s32 s3, s5;
	[dreg:$0x0] =	wrdreg $0x0  }
0xa8: {  	s5 =	sshll.u32 s28, $0x1;
	[dreg:$0x2] =	wrdreg s3  }
0xa9: {  	[dreg:$0x3] =	wrdreg s5  }
0xaa: {  	[dreg:$0x4] =	wrdreg $0xC0  }
0xab: {  	_ =	task [dreg:s7], $0x5FFFF  }
0xac: {  	[dreg:$0x1] =	wrdreg $0xFFFFFFFF  }
0xad: {  	[dreg:$0x0] =	wrdreg $0x60  }
0xae: {  	[dreg:$0x2] =	wrdreg s24  }
0xaf: {  	[dreg:$0x3] =	wrdreg s2  }
0xb0: {  	[dreg:$0x4] =	wrdreg $0x58000  }
0xb1: {  	[dreg:$0x5] =	wrdreg $0x9  }
0xb2: {  	_ =	task.clear_ibuf [dreg:s7], $0x6FFFF;
	_ =	strace $0x90000046  }
0xb3: {  	s29 =	simm.s32 $0x9;
	_ =	strace $0x80000048  }
0xb4: {  	_ =	swait.ge [sflag:s29], $0x1  }
0xb5: {  	[sflag:s29] =	ssyncadd.s32 $0xFFFFFFFF  }
0xb6: {  	_ =	strace $0x90000048  }
0xb7: {  	_ =	sfence  }
0xb8: {  	s30 =	sld [smem:$0x0];
	_ =	sdelay $0x2  }
0xb9: {  	s31 =	sshll.u32 s1, $0xD;
	s1 =	sshrl.u32 s1, $0x2  }
0xba: {  	s3 =	sand.u32 $0x4000, s31;
	s1 =	sadd.s32 s1, s30  }
0xbb: {  	s0 =	sor.u32 s3, s0;
	s1 =	sshll.u32 s1, $0x11  }
0xbc: {  	s0 =	sor.u32 s1, s0  }
0xbd: {  	s0 =	sadd.s32 $0x8F2B, s0  }
0xbe: {  	[sflag:s0] =	ssyncadd.remote.s32 $0x1  }
0xbf: {  	_ =	sfence.sel $0xFFFF  }
0xc0: {  	[dreg:$0x0] =	wrdreg $0xFFFFFFFF;
	(pc) =	sbr.abs _section_cstart, $3  }
0xc1: {  	[dreg:$0x1] =	wrdreg $0xFFFFFFFF  }
0xc2: {  	_ =	task.clear_ibuf [dreg:s7], $0x2FFFF;
	_ =	strace $0x9FFFFFFF  }
0xc3: {  	(tm) =	ssettm $0x7FFFFFFF  }
tec
execute0_lowered:
.L_overlay_start_1:
0x0: {  	(tag) =	ssettag $0x1  }
0x1: {  	s6 =	rddreg [dreg:$0x0]  }
0x2: {  	s0 =	srdreg.scid;
	s2 =	rddreg [dreg:$0x1]  }
0x3: {  	s3 =	rddreg [dreg:$0x2];
	s4 =	simm.s32 $0x0;
	s14 =	simm.s32 $0x80  }
0x4: {  	s15 =	simm.s32 $0x2800;
	s16 =	simm.s32 $0x4000;
	s17 =	simm.s32 $0x1  }
0x5: {  	s18 =	simm.s32 $0x2;
	s7 =	sand.u32 $0x1, s0;
	s0 =	stileid.u32  }
0x6: {  	s19 =	simm.s32 $0x2700;
	s20 =	simm.s32 $0x2780;
	s9 =	smul.u32 $0xED0, s0  }
0x7: {  	s21 =	simm.s32 $0x0;
	[smem:$0x7FF] =	sst s4;
	s10 =	smul.u32 $0xED00, s7  }
0x8: {  	s1 =	sshll.u32 s7, $0x4;
	s7 =	ssub.s32 $0x2, s7;
	s11 =	smul.u32 $0x1DA00, s0  }
0x9: {  	s12 =	sshll.u32 s0, $0x6;
	s5 =	sor.u32 s0, s1;
	s1 =	rddreg [dreg:$0x3]  }
0xa: {  	_ =	strace $0x80000047;
	s31 =	sshrl.u32 s7, $0x1;
	s12 =	sor.u32 $0x1C03, s12  }
0xb: {  	s8 =	smul.u32 $0x280, s5;
	s5 =	sadd.s32 $0x28600, s6;
	s9 =	sadd.s32 s9, s10  }
0xc: {  	s10 =	ssub.s32 s7, s31;
	s11 =	sshrl.u32 s11, $0x2;
	s9 =	sadd.s32 s9, s6  }
0xd: {  	s13 =	sadd.s32 s11, s3;
	s11 =	simm.s32 $0x1400;
	s8 =	sadd.s32 s8, s6  }
0xe: {  	s13 =	sshrl.u32 s13, $0x3;
	s6 =	sadd.s32 $0x37400, s8;
	s7 =	sadd.s32 $0x3C400, s8  }
0xf: {  	s8 =	sadd.s32 $0x41400, s9;
	s9 =	smax.u32 s10, $0x1;
	s10 =	simm.s32 $0x3  }
.LBB2_1:
0x10: {  	[tilespmem:s4], [sflag:$0x3] =	stream.linear.gather [hbm4b:s6+s4], $0x1400, $0x38;
	[tilespmem:$0xCE80] =	vst v63  }
0x11: {  	_ =	swait.ge [sflag:s10], $0x1400  }
0x12: {  	[sflag:s10] =	ssyncset.done $0x0  }
0x13: {  	[sflag:s10] =	ssyncadd.s32 $0xFFFFEC00  }
0x14: {  	[tilespmem:s11], [sflag:$0x3] =	stream.linear.gather [hbm4b:s7+s4], $0x1400, $0x38;
	[tilespmem:$0xCE80] =	vst v63  }
0x15: {  	_ =	swait.ge [sflag:s10], $0x1400  }
0x16: {  	[sflag:s10] =	ssyncset.done $0x0  }
0x17: {  	[sflag:s10] =	ssyncadd.s32 $0xFFFFEC00  }
0x18: {  	[spmem:s13], [sflag:s12] =	dma.local [hbm:s2], $0xED0  }
0x19: {  	_ =	swait.ge [sflag:s10], $0xED0  }
0x1a: {  	[sflag:s10] =	ssyncset.done $0x0  }
0x1b: {  	[sflag:s10] =	ssyncadd.s32 $0xFFFFF130  }
0x1c: {  	[bflag:$0x0] =	sbarrier.arrive $0xFFFF  }
0x1d: {  	[tilespmem:s15], [sflag:$0x1] =	stream.indirect.gather [hbm4b:s5+s14], $0x30, s4, s14, $0xb8;
	[tilespmem:$0xCE80] =	vst v63  }
0x1e: {  	_ = 	snop  }
0x1f: {  	[tilespmem:s16], [sflag:$0x2] =	stream.indirect.gather [hbm4b:s5+s14], $0x30, s14, s14, $0xb8;
	[tilespmem:$0xCE80] =	vst v63  }
0x20: {  	_ =	swait.ge [sflag:s17], $0x1800  }
0x21: {  	[sflag:s17] =	ssyncset.done $0x0  }
0x22: {  	s22 =	simm.s32 $0x1400;
	[sflag:s17] =	ssyncadd.s32 $0xFFFFE800  }
0x23: {  	[spmem:s3] =	stream.indirect.scatter.add.f32 [tilespmem:s15], [sflag:$0x3], $0x30, s22, s14, $0xb8;
	[tilespmem:$0xCE80] =	vst v63  }
0x24: {  	_ =	swait.ge [sflag:s10], $0x1800  }
0x25: {  	[sflag:s10] =	ssyncset.done $0x0  }
0x26: {  	s30 =	simm.s32 $0x100;
	[sflag:s10] =	ssyncadd.s32 $0xFFFFE800  }
0x27: {  	[tilespmem:s15], [sflag:$0x1] =	stream.indirect.gather [hbm4b:s5+s14], $0x30, s30, s14, $0xb8;
	[tilespmem:$0xCE80] =	vst v63  }
0x28: {  	_ =	swait.ge [sflag:s18], $0x1800  }
0x29: {  	[sflag:s18] =	ssyncset.done $0x0  }
0x2a: {  	s31 =	simm.s32 $0x1480;
	[sflag:s18] =	ssyncadd.s32 $0xFFFFE800  }
0x2b: {  	[spmem:s3] =	stream.indirect.scatter.add.f32 [tilespmem:s16], [sflag:$0x3], $0x30, s31, s14, $0xb8;
	[tilespmem:$0xCE80] =	vst v63  }
0x2c: {  	_ =	swait.ge [sflag:s10], $0x1800  }
0x2d: {  	[sflag:s10] =	ssyncset.done $0x0  }
0x2e: {  	s23 =	simm.s32 $0x180;
	s22 =	simm.s32 $0x400;
	[sflag:s10] =	ssyncadd.s32 $0xFFFFE800  }
.LBB2_2:
0x2f: {  	[tilespmem:s16], [sflag:$0x2] =	stream.indirect.gather [hbm4b:s5+s14], $0x30, s23, s14, $0xb8;
	[tilespmem:$0xCE80] =	vst v63  }
0x30: {  	s23 =	smov.u32 s22  }
0x31: {  	p0 =	sne.s32 s22, $0x4800;
	s22 =	sadd.s32 $0x400, s22;
	_ =	swait.ge [sflag:s17], $0x1800  }
0x32: {  	s23 =	sshra.s32 s23, $0x2;
	[sflag:s17] =	ssyncset.done $0x0  }
0x33: {  	s24 =	sadd.s32 $0x1400, s23;
	[sflag:s17] =	ssyncadd.s32 $0xFFFFE800  }
0x34: {  	[spmem:s3] =	stream.indirect.scatter.add.f32 [tilespmem:s15], [sflag:$0x3], $0x30, s24, s14, $0xb8;
	[tilespmem:$0xCE80] =	vst v63  }
0x35: {  	_ =	swait.ge [sflag:s10], $0x1800  }
0x36: {  	[sflag:s10] =	ssyncset.done $0x0  }
0x37: {  	s24 =	sadd.s32 $0x100, s23;
	[sflag:s10] =	ssyncadd.s32 $0xFFFFE800  }
0x38: {  	[tilespmem:s15], [sflag:$0x1] =	stream.indirect.gather [hbm4b:s5+s14], $0x30, s24, s14, $0xb8;
	[tilespmem:$0xCE80] =	vst v63  }
0x39: {  	_ =	swait.ge [sflag:s18], $0x1800  }
0x3a: {  	[sflag:s18] =	ssyncset.done $0x0  }
.Ltmp0:
0x3b: {  	s24 =	sadd.s32 $0x1480, s23;
	[sflag:s18] =	ssyncadd.s32 $0xFFFFE800;
	(pc) =	sbr.rel @p0 .LBB2_2-.Ltmp0, $4  }
0x3c: {  	[spmem:s3] =	stream.indirect.scatter.add.f32 [tilespmem:s16], [sflag:$0x3], $0x30, s24, s14, $0xb8;
	[tilespmem:$0xCE80] =	vst v63  }
0x3d: {  	_ =	swait.ge [sflag:s10], $0x1800  }
0x3e: {  	[sflag:s10] =	ssyncset.done $0x0  }
0x3f: {  	s23 =	sadd.s32 $0x180, s23;
	[sflag:s10] =	ssyncadd.s32 $0xFFFFE800  }
0x40: {  	[tilespmem:s16], [sflag:$0x2] =	stream.indirect.gather [hbm4b:s5+s14], $0x30, s23, s14, $0xb8;
	[tilespmem:$0xCE80] =	vst v63  }
0x41: {  	_ =	swait.ge [sflag:s17], $0x1800  }
0x42: {  	[sflag:s17] =	ssyncset.done $0x0  }
0x43: {  	[sflag:s17] =	ssyncadd.s32 $0xFFFFE800  }
0x44: {  	[spmem:s3] =	stream.indirect.scatter.add.f32 [tilespmem:s15], [sflag:$0x3], $0x30, s19, s14, $0xb8;
	[tilespmem:$0xCE80] =	vst v63  }
0x45: {  	_ =	swait.ge [sflag:s10], $0x1800  }
0x46: {  	[sflag:s10] =	ssyncset.done $0x0  }
0x47: {  	[sflag:s10] =	ssyncadd.s32 $0xFFFFE800  }
0x48: {  	_ =	swait.ge [sflag:s18], $0x1800  }
0x49: {  	[sflag:s18] =	ssyncset.done $0x0  }
0x4a: {  	[sflag:s18] =	ssyncadd.s32 $0xFFFFE800  }
0x4b: {  	[spmem:s3] =	stream.indirect.scatter.add.f32 [tilespmem:s16], [sflag:$0x3], $0x30, s20, s14, $0xb8;
	[tilespmem:$0xCE80] =	vst v63  }
0x4c: {  	_ =	swait.ge [sflag:s10], $0x1800  }
0x4d: {  	s21 =	sadd.s32 $0x1, s21;
	[sflag:s10] =	ssyncset.done $0x0  }
0x4e: {  	p0 =	sne.s32 s21, s9;
	[sflag:s10] =	ssyncadd.s32 $0xFFFFE800  }
.Ltmp1:
0x4f: {  	[bflag:$0x0] =	sbarrier.arrive $0xFFFF;
	(pc) =	sbr.rel @p0 .LBB2_1-.Ltmp1, $4  }
0x50: {  	[hbm:s8], [sflag:s12] =	dma.local [spmem:s13], $0xED0  }
0x51: {  	_ =	swait.ge [sflag:s10], $0xED0  }
0x52: {  	[sflag:s10] =	ssyncset.done $0x0  }
0x53: {  	[sflag:s10] =	ssyncadd.s32 $0xFFFFF130  }
0x54: {  	_ =	sfence.sel $0x180000  }
0x55: {  	[bflag:$0x0] =	sbarrier.arrive $0xFFFF  }
0x56: {  	p0 =	sne.s32 s0, $0x0;
	_ =	strace $0x90000047  }
0x57: {  	s0 =	sadd.s32 @!p0 $0x100000, s1;
	[bflag:$0x2] =	sbarrier.arrive $0xFFFF  }
0x58: {  	[sflag:s0] =	ssyncadd.tile.s32 @!p0 $0x1;
	_ =	shalt  }
.Lfunc_end2:
_tile_overlayer_lowered:
.L_overlay_start_2:
0x59: {  	(tag) =	ssettag $0x2  }
0x5a: {  	s0 =	rddreg [dreg:$0x0];
	s2 =	stileid.u32  }
0x5b: {  	s1 =	rddreg [dreg:$0x1];
	p0 =	sne.s32 s2, $0x0  }
0x5c: {  	s3 =	rddreg [dreg:$0x2];
	[bflag:$0x3] =	sbarrier.arrive $0xFFFF;
	s2 =	simm.s32 @!p0 $0x1C03  }
0x5d: {  	[timem:s3], [sflag:s2] =	dma.local @!p0 [hbm:s0], s1  }
0x5e: {  	s0 =	simm.s32 @!p0 $0x3  }
0x5f: {  	_ =	swait.ge @!p0 [sflag:s0], s1  }
0x60: {  	s1 =	ssub.s32 @!p0 $0x0, s1;
	[sflag:s0] =	ssyncset.done @!p0 $0x0  }
0x61: {  	[sflag:s0] =	ssyncadd.s32 @!p0 s1  }
0x62: {  	[bflag:$0x3] =	sbarrier.arrive $0xFFFF  }
0x63: {  	_ =	shalt  }

</sc_bundles>
